<compile_context>
chip_gen: v7x
topology: tpu7x:2x2x1
jax: 0.10.2.dev20260603
libtpu: 0.0.44.dev20260713+nightly
codegen_flags: <defaults>
</compile_context>

<pallas_src>
import functools

import jax
import jax.numpy as jnp
from jax import lax
from jax.experimental import pallas as pl
from jax.experimental.pallas import tpu as pltpu
from jax.experimental.pallas import tpu_sc as plsc

_K = 5


def _sc_lookup(src_table, tgt_table, src_idx, tgt_idx, L):
    V, D = src_table.shape
    N = src_idx.shape[0]
    B = N // L
    n_outer = L // _K

    mesh = plsc.VectorSubcoreMesh(core_axis_name="c", subcore_axis_name="s")
    info = plsc.get_sparse_core_info()
    NC = info.num_cores
    NW = NC * info.num_subcores
    W = B // NW

    @functools.partial(
        pl.kernel,
        mesh=mesh,
        out_type=[
            jax.ShapeDtypeStruct((N, D), jnp.float32),
            jax.ShapeDtypeStruct((N, D), jnp.float32),
        ],
        scratch_types=[
            pltpu.VMEM((L * W,), jnp.int32),
            pltpu.VMEM((L * W,), jnp.int32),
            pltpu.VMEM((_K * W, D), jnp.float32),
            pltpu.SemaphoreType.DMA((_K,)),
            pltpu.SemaphoreType.DMA((_K,)),
        ],
    )
    def k(src_t, tgt_t, src_i, tgt_i, src_o, tgt_o,
          idx_src_v, idx_tgt_v, rows_v, sem_g, sem_w):
        wid = lax.axis_index("s") * NC + lax.axis_index("c")
        col = wid * W
        base = wid * L * W

        pltpu.sync_copy(src_i.at[pl.ds(base, L * W)], idx_src_v)
        pltpu.sync_copy(tgt_i.at[pl.ds(base, L * W)], idx_tgt_v)

        def wb_wait(out_hbm, b):
            pltpu.make_async_copy(
                rows_v.at[pl.ds(0, W)],
                out_hbm.at[pl.ds(base, W)],
                sem_w.at[b],
            ).wait()

        def side(table, idx_v, out_hbm, prev_out):
            def outer(t, carry):
                gathers = []
                for b in range(_K):
                    @pl.when(t > 0)
                    def _():
                        wb_wait(out_hbm, b)

                    if prev_out is not None:
                        @pl.when(t == 0)
                        def _():
                            wb_wait(prev_out, b)

                    l = t * _K + b
                    gathers.append(pltpu.async_copy(
                        table.at[idx_v.at[pl.ds(l * W, W)]],
                        rows_v.at[pl.ds(b * W, W)],
                        sem_g.at[b]))

                for b in range(_K):
                    gathers[b].wait()
                    l = t * _K + b
                    pltpu.async_copy(
                        rows_v.at[pl.ds(b * W, W)],
                        out_hbm.at[pl.ds(base + l * W, W)],
                        sem_w.at[b])
                return carry

            lax.fori_loop(0, n_outer, outer, 0)

        side(src_t, idx_src_v, src_o, None)
        side(tgt_t, idx_tgt_v, tgt_o, src_o)

        for b in range(_K):
            wb_wait(tgt_o, b)

    return k(src_table, tgt_table, src_idx, tgt_idx)


def kernel(src_table, tgt_table, src_indices, tgt_indices):
    B, L = src_indices.shape
    D = src_table.shape[1]
    src_out, tgt_out = _sc_lookup(
        src_table, tgt_table,
        src_indices.astype(jnp.int32).T.reshape(-1),
        tgt_indices.astype(jnp.int32).T.reshape(-1), L)
    src_out = src_out.reshape(L, B, D).transpose(1, 0, 2)
    tgt_out = tgt_out.reshape(L, B, D).transpose(1, 0, 2)
    return (src_out, tgt_out)

# --- scband reference (transcript-rebuilt; emitter-appended) ---
"""Pipeline reference for scband-model-embeddings-26036091748627 (READ-ONLY COPY).

The authoritative reference and input builder live on the scoring server;
editing this copy changes nothing except your own understanding.
"""

import jax, jax.numpy as jnp
import numpy as np

SRC_VOCAB = 100000
TGT_VOCAB = 100000
EMBED = 128
B = 4096
L = 50
PAD = 0


def setup_inputs(seed: int = 0) -> dict:
    key = jax.random.key(seed)
    k1, k2, k3, k4 = jax.random.split(key, 4)
    src_table = jax.random.normal(k1, (SRC_VOCAB, EMBED), dtype=jnp.float32)
    src_table = src_table.at[PAD].set(0.0)  # padding_idx row is zero-initialized in torch
    tgt_table = jax.random.normal(k2, (TGT_VOCAB, EMBED), dtype=jnp.float32)
    tgt_table = tgt_table.at[PAD].set(0.0)
    src_indices = jax.random.randint(k3, (B, L), 0, SRC_VOCAB, dtype=jnp.int64 if jax.config.jax_enable_x64 else jnp.int32)
    tgt_indices = jax.random.randint(k4, (B, L), 0, TGT_VOCAB, dtype=jnp.int64 if jax.config.jax_enable_x64 else jnp.int32)
    return {
        "src_table": src_table,
        "tgt_table": tgt_table,
        "src_indices": src_indices,
        "tgt_indices": tgt_indices,
    }


def reference(src_table, tgt_table, src_indices, tgt_indices):
    # ModelEmbeddings holds two nn.Embedding layers: self.source and self.target.
    # Forward usage is a plain table lookup for each side.
    src_emb = jnp.take(src_table, src_indices, axis=0)
    tgt_emb = jnp.take(tgt_table, tgt_indices, axis=0)
    return (src_emb, tgt_emb)

if __name__ == "__main__":
    import jax
    _d = setup_inputs()
    print(jax.jit(kernel)(*tuple(_d.values())))

</pallas_src>

<mosaic_0001>
#map = affine_map<(d0, d1) -> (0, 0)>
#map1 = affine_map<(d0, d1) -> (0)>
module attributes {stable_mosaic.version = 14 : i64} {
  func.func @k(%arg0: i32, %arg1: i32, %arg2: memref<100000x128xf32, #tpu.memory_space<hbm>>, %arg3: memref<100000x128xf32, #tpu.memory_space<hbm>>, %arg4: memref<204800xi32, #tpu.memory_space<hbm>>, %arg5: memref<204800xi32, #tpu.memory_space<hbm>>, %arg6: memref<204800x128xf32, #tpu.memory_space<hbm>>, %arg7: memref<204800x128xf32, #tpu.memory_space<hbm>>, %arg8: memref<6400xi32, #tpu.memory_space<vmem>>, %arg9: memref<6400xi32, #tpu.memory_space<vmem>>, %arg10: memref<640x128xf32, #tpu.memory_space<vmem>>, %arg11: memref<5x!tpu.dma_semaphore, #tpu.memory_space<semaphore_mem>>, %arg12: memref<5x!tpu.dma_semaphore, #tpu.memory_space<semaphore_mem>>) attributes {dimension_semantics = [#tpu.dimension_semantics<core_parallel>, #tpu.dimension_semantics<subcore_parallel>], iteration_bounds = array<i64: 2, 16>, scalar_prefetch = 0 : i64, scratch_operands = 5 : i64, tpu.core_type = #tpu.core_type<sc_vector_subcore>, window_params = [{transform_indices = #map}, {transform_indices = #map}, {transform_indices = #map1}, {transform_indices = #map1}, {transform_indices = #map}, {transform_indices = #map}]} {
    %mul3A = arith.constant 2 : i32
    %mul3A_0 = arith.muli %arg1, %mul3A : i32
    %add3A = arith.addi %mul3A_0, %arg0 : i32
    %mul3A_1 = arith.constant 128 : i32
    %mul3A_2 = arith.muli %add3A, %mul3A_1 : i32
    %mul3A_3 = arith.constant 50 : i32
    %mul3A_4 = arith.muli %add3A, %mul3A_3 : i32
    %mul3A_5 = arith.constant 128 : i32
    %mul3A_6 = arith.muli %mul3A_4, %mul3A_5 : i32
    "tpu.region"() ({
      %run_scoped3A = tpu.sem_alloc : memref<!tpu.dma_semaphore, #tpu.memory_space<semaphore_mem>>
      %dma_start3A = tpu.memref_slice %arg4[%mul3A_6] : memref<204800xi32, #tpu.memory_space<hbm>> -> memref<6400xi32, #tpu.memory_space<hbm>>
      %dma_start3A_82 = tpu.memref_slice %arg4[%mul3A_6] : memref<204800xi32, #tpu.memory_space<hbm>> -> memref<6400xi32, #tpu.memory_space<hbm>>
      tpu.enqueue_dma source(%dma_start3A_82 : memref<6400xi32, #tpu.memory_space<hbm>>) target(%arg8 : memref<6400xi32, #tpu.memory_space<vmem>>) target_semaphore(%run_scoped3A : memref<!tpu.dma_semaphore, #tpu.memory_space<semaphore_mem>>)
      %dma_wait3A_83 = tpu.memref_slice %arg4[%mul3A_6] : memref<204800xi32, #tpu.memory_space<hbm>> -> memref<6400xi32, #tpu.memory_space<hbm>>
      %dma_wait3A_84 = tpu.memref_slice %arg4[%mul3A_6] : memref<204800xi32, #tpu.memory_space<hbm>> -> memref<6400xi32, #tpu.memory_space<hbm>>
      tpu.wait_dma2 semaphore(%run_scoped3A : memref<!tpu.dma_semaphore, #tpu.memory_space<semaphore_mem>>) src(%dma_wait3A_84 : memref<6400xi32, #tpu.memory_space<hbm>>) dst(%arg8 : memref<6400xi32, #tpu.memory_space<vmem>>)
      tpu.yield
    }) : () -> ()
    "tpu.region"() ({
      %run_scoped3A = tpu.sem_alloc : memref<!tpu.dma_semaphore, #tpu.memory_space<semaphore_mem>>
      %dma_start3A = tpu.memref_slice %arg5[%mul3A_6] : memref<204800xi32, #tpu.memory_space<hbm>> -> memref<6400xi32, #tpu.memory_space<hbm>>
      %dma_start3A_82 = tpu.memref_slice %arg5[%mul3A_6] : memref<204800xi32, #tpu.memory_space<hbm>> -> memref<6400xi32, #tpu.memory_space<hbm>>
      tpu.enqueue_dma source(%dma_start3A_82 : memref<6400xi32, #tpu.memory_space<hbm>>) target(%arg9 : memref<6400xi32, #tpu.memory_space<vmem>>) target_semaphore(%run_scoped3A : memref<!tpu.dma_semaphore, #tpu.memory_space<semaphore_mem>>)
      %dma_wait3A_83 = tpu.memref_slice %arg5[%mul3A_6] : memref<204800xi32, #tpu.memory_space<hbm>> -> memref<6400xi32, #tpu.memory_space<hbm>>
      %dma_wait3A_84 = tpu.memref_slice %arg5[%mul3A_6] : memref<204800xi32, #tpu.memory_space<hbm>> -> memref<6400xi32, #tpu.memory_space<hbm>>
      tpu.wait_dma2 semaphore(%run_scoped3A : memref<!tpu.dma_semaphore, #tpu.memory_space<semaphore_mem>>) src(%dma_wait3A_84 : memref<6400xi32, #tpu.memory_space<hbm>>) dst(%arg9 : memref<6400xi32, #tpu.memory_space<vmem>>)
      tpu.yield
    }) : () -> ()
    %scan3A = arith.constant 0 : i32
    %scan3A_7 = arith.constant 0 : i32
    %scan3A_8 = arith.constant 10 : i32
    %scan3A_9 = arith.addi %scan3A_7, %scan3A_8 : i32
    %scan3A_10 = arith.constant 1 : i32
    scf.for %scan3A_82 = %scan3A_7 to %scan3A_9 step %scan3A_10  : i32 {
      %gt3A = arith.constant 0 : i32
      %gt3A_83 = arith.cmpi sgt, %scan3A_82, %gt3A : i32
      %convert_element_type3A = arith.extui %gt3A_83 : i1 to i32
      %cond3A = arith.constant 0 : i32
      %cond3A_84 = arith.cmpi ne, %convert_element_type3A, %cond3A : i32
      scf.if %cond3A_84 {
        %dma_wait3A_334 = arith.constant 0 : i32
        %dma_wait3A_335 = arith.constant 0 : i32
        %dma_wait3A_336 = arith.constant 0 : i32
        %dma_wait3A_337 = tpu.memref_slice %arg10[%dma_wait3A_335, %dma_wait3A_336] : memref<640x128xf32, #tpu.memory_space<vmem>> -> memref<128x128xf32, #tpu.memory_space<vmem>>
        %dma_wait3A_338 = arith.constant 0 : i32
        %dma_wait3A_339 = tpu.memref_slice %arg6[%mul3A_6, %dma_wait3A_338] : memref<204800x128xf32, #tpu.memory_space<hbm>> -> memref<128x128xf32, #tpu.memory_space<hbm>>
        %dma_wait3A_340 = tpu.memref_slice %arg12[%dma_wait3A_334] : memref<5x!tpu.dma_semaphore, #tpu.memory_space<semaphore_mem>> -> memref<1x!tpu.dma_semaphore, #tpu.memory_space<semaphore_mem>>
        %dma_wait3A_341 = tpu.memref_squeeze %dma_wait3A_340 : memref<1x!tpu.dma_semaphore, #tpu.memory_space<semaphore_mem>> -> memref<!tpu.dma_semaphore, #tpu.memory_space<semaphore_mem>>
        %dma_wait3A_342 = arith.constant 0 : i32
        %dma_wait3A_343 = tpu.memref_slice %arg6[%mul3A_6, %dma_wait3A_342] : memref<204800x128xf32, #tpu.memory_space<hbm>> -> memref<128x128xf32, #tpu.memory_space<hbm>>
        %dma_wait3A_344 = arith.constant 0 : i32
        %dma_wait3A_345 = arith.constant 0 : i32
        %dma_wait3A_346 = tpu.memref_slice %arg10[%dma_wait3A_344, %dma_wait3A_345] : memref<640x128xf32, #tpu.memory_space<vmem>> -> memref<128x128xf32, #tpu.memory_space<vmem>>
        tpu.wait_dma2 semaphore(%dma_wait3A_341 : memref<!tpu.dma_semaphore, #tpu.memory_space<semaphore_mem>>) src(%dma_wait3A_346 : memref<128x128xf32, #tpu.memory_space<vmem>>) dst(%dma_wait3A_343 : memref<128x128xf32, #tpu.memory_space<hbm>>)
      } else {
      }
      %mul3A_85 = arith.constant 5 : i32
      %mul3A_86 = arith.muli %scan3A_82, %mul3A_85 : i32
      %add3A_87 = arith.constant 0 : i32
      %add3A_88 = arith.addi %mul3A_86, %add3A_87 : i32
      %mul3A_89 = arith.constant 128 : i32
      %mul3A_90 = arith.muli %add3A_88, %mul3A_89 : i32
      %dma_start3A = arith.constant 0 : i32
      %dma_start3A_91 = arith.constant 0 : i32
      %dma_start3A_92 = arith.constant 0 : i32
      %dma_start3A_93 = tpu.memref_slice %arg10[%dma_start3A_91, %dma_start3A_92] : memref<640x128xf32, #tpu.memory_space<vmem>> -> memref<128x128xf32, #tpu.memory_space<vmem>>
      %dma_start3A_94 = tpu.memref_slice %arg8[%mul3A_90] : memref<6400xi32, #tpu.memory_space<vmem>> -> memref<128xi32, #tpu.memory_space<vmem>>
      %dma_start3A_95 = arith.constant 0 : i32
      %dma_start3A_96 = arith.constant 0 : i32
      %dma_start3A_97 = tpu.memref_slice %arg2[%dma_start3A_95, %dma_start3A_96] : memref<100000x128xf32, #tpu.memory_space<hbm>> -> memref<100000x128xf32, #tpu.memory_space<hbm>>
      %dma_start3A_98 = tpu.memref_slice %arg11[%dma_start3A] : memref<5x!tpu.dma_semaphore, #tpu.memory_space<semaphore_mem>> -> memref<1x!tpu.dma_semaphore, #tpu.memory_space<semaphore_mem>>
      %dma_start3A_99 = tpu.memref_squeeze %dma_start3A_98 : memref<1x!tpu.dma_semaphore, #tpu.memory_space<semaphore_mem>> -> memref<!tpu.dma_semaphore, #tpu.memory_space<semaphore_mem>>
      tpu.enqueue_indirect_dma source(%dma_start3A_97 : memref<100000x128xf32, #tpu.memory_space<hbm>>) target(%dma_start3A_93 : memref<128x128xf32, #tpu.memory_space<vmem>>) offsets(%dma_start3A_94 : memref<128xi32, #tpu.memory_space<vmem>>) semaphore(%dma_start3A_99 : memref<!tpu.dma_semaphore, #tpu.memory_space<semaphore_mem>>)
      %gt3A_100 = arith.constant 0 : i32
      %gt3A_101 = arith.cmpi sgt, %scan3A_82, %gt3A_100 : i32
      %convert_element_type3A_102 = arith.extui %gt3A_101 : i1 to i32
      %cond3A_103 = arith.constant 0 : i32
      %cond3A_104 = arith.cmpi ne, %convert_element_type3A_102, %cond3A_103 : i32
      scf.if %cond3A_104 {
        %dma_wait3A_334 = arith.constant 1 : i32
        %dma_wait3A_335 = arith.constant 0 : i32
        %dma_wait3A_336 = arith.constant 0 : i32
        %dma_wait3A_337 = tpu.memref_slice %arg10[%dma_wait3A_335, %dma_wait3A_336] : memref<640x128xf32, #tpu.memory_space<vmem>> -> memref<128x128xf32, #tpu.memory_space<vmem>>
        %dma_wait3A_338 = arith.constant 0 : i32
        %dma_wait3A_339 = tpu.memref_slice %arg6[%mul3A_6, %dma_wait3A_338] : memref<204800x128xf32, #tpu.memory_space<hbm>> -> memref<128x128xf32, #tpu.memory_space<hbm>>
        %dma_wait3A_340 = tpu.memref_slice %arg12[%dma_wait3A_334] : memref<5x!tpu.dma_semaphore, #tpu.memory_space<semaphore_mem>> -> memref<1x!tpu.dma_semaphore, #tpu.memory_space<semaphore_mem>>
        %dma_wait3A_341 = tpu.memref_squeeze %dma_wait3A_340 : memref<1x!tpu.dma_semaphore, #tpu.memory_space<semaphore_mem>> -> memref<!tpu.dma_semaphore, #tpu.memory_space<semaphore_mem>>
        %dma_wait3A_342 = arith.constant 0 : i32
        %dma_wait3A_343 = tpu.memref_slice %arg6[%mul3A_6, %dma_wait3A_342] : memref<204800x128xf32, #tpu.memory_space<hbm>> -> memref<128x128xf32, #tpu.memory_space<hbm>>
        %dma_wait3A_344 = arith.constant 0 : i32
        %dma_wait3A_345 = arith.constant 0 : i32
        %dma_wait3A_346 = tpu.memref_slice %arg10[%dma_wait3A_344, %dma_wait3A_345] : memref<640x128xf32, #tpu.memory_space<vmem>> -> memref<128x128xf32, #tpu.memory_space<vmem>>
        tpu.wait_dma2 semaphore(%dma_wait3A_341 : memref<!tpu.dma_semaphore, #tpu.memory_space<semaphore_mem>>) src(%dma_wait3A_346 : memref<128x128xf32, #tpu.memory_space<vmem>>) dst(%dma_wait3A_343 : memref<128x128xf32, #tpu.memory_space<hbm>>)
      } else {
      }
      %mul3A_105 = arith.constant 5 : i32
      %mul3A_106 = arith.muli %scan3A_82, %mul3A_105 : i32
      %add3A_107 = arith.constant 1 : i32
      %add3A_108 = arith.addi %mul3A_106, %add3A_107 : i32
      %mul3A_109 = arith.constant 128 : i32
      %mul3A_110 = arith.muli %add3A_108, %mul3A_109 : i32
      %dma_start3A_111 = arith.constant 1 : i32
      %dma_start3A_112 = arith.constant 128 : i32
      %dma_start3A_113 = arith.constant 0 : i32
      %dma_start3A_114 = tpu.memref_slice %arg10[%dma_start3A_112, %dma_start3A_113] : memref<640x128xf32, #tpu.memory_space<vmem>> -> memref<128x128xf32, #tpu.memory_space<vmem>>
      %dma_start3A_115 = tpu.memref_slice %arg8[%mul3A_110] : memref<6400xi32, #tpu.memory_space<vmem>> -> memref<128xi32, #tpu.memory_space<vmem>>
      %dma_start3A_116 = arith.constant 0 : i32
      %dma_start3A_117 = arith.constant 0 : i32
      %dma_start3A_118 = tpu.memref_slice %arg2[%dma_start3A_116, %dma_start3A_117] : memref<100000x128xf32, #tpu.memory_space<hbm>> -> memref<100000x128xf32, #tpu.memory_space<hbm>>
      %dma_start3A_119 = tpu.memref_slice %arg11[%dma_start3A_111] : memref<5x!tpu.dma_semaphore, #tpu.memory_space<semaphore_mem>> -> memref<1x!tpu.dma_semaphore, #tpu.memory_space<semaphore_mem>>
      %dma_start3A_120 = tpu.memref_squeeze %dma_start3A_119 : memref<1x!tpu.dma_semaphore, #tpu.memory_space<semaphore_mem>> -> memref<!tpu.dma_semaphore, #tpu.memory_space<semaphore_mem>>
      tpu.enqueue_indirect_dma source(%dma_start3A_118 : memref<100000x128xf32, #tpu.memory_space<hbm>>) target(%dma_start3A_114 : memref<128x128xf32, #tpu.memory_space<vmem>>) offsets(%dma_start3A_115 : memref<128xi32, #tpu.memory_space<vmem>>) semaphore(%dma_start3A_120 : memref<!tpu.dma_semaphore, #tpu.memory_space<semaphore_mem>>)
      %gt3A_121 = arith.constant 0 : i32
      %gt3A_122 = arith.cmpi sgt, %scan3A_82, %gt3A_121 : i32
      %convert_element_type3A_123 = arith.extui %gt3A_122 : i1 to i32
      %cond3A_124 = arith.constant 0 : i32
      %cond3A_125 = arith.cmpi ne, %convert_element_type3A_123, %cond3A_124 : i32
      scf.if %cond3A_125 {
        %dma_wait3A_334 = arith.constant 2 : i32
        %dma_wait3A_335 = arith.constant 0 : i32
        %dma_wait3A_336 = arith.constant 0 : i32
        %dma_wait3A_337 = tpu.memref_slice %arg10[%dma_wait3A_335, %dma_wait3A_336] : memref<640x128xf32, #tpu.memory_space<vmem>> -> memref<128x128xf32, #tpu.memory_space<vmem>>
        %dma_wait3A_338 = arith.constant 0 : i32
        %dma_wait3A_339 = tpu.memref_slice %arg6[%mul3A_6, %dma_wait3A_338] : memref<204800x128xf32, #tpu.memory_space<hbm>> -> memref<128x128xf32, #tpu.memory_space<hbm>>
        %dma_wait3A_340 = tpu.memref_slice %arg12[%dma_wait3A_334] : memref<5x!tpu.dma_semaphore, #tpu.memory_space<semaphore_mem>> -> memref<1x!tpu.dma_semaphore, #tpu.memory_space<semaphore_mem>>
        %dma_wait3A_341 = tpu.memref_squeeze %dma_wait3A_340 : memref<1x!tpu.dma_semaphore, #tpu.memory_space<semaphore_mem>> -> memref<!tpu.dma_semaphore, #tpu.memory_space<semaphore_mem>>
        %dma_wait3A_342 = arith.constant 0 : i32
        %dma_wait3A_343 = tpu.memref_slice %arg6[%mul3A_6, %dma_wait3A_342] : memref<204800x128xf32, #tpu.memory_space<hbm>> -> memref<128x128xf32, #tpu.memory_space<hbm>>
        %dma_wait3A_344 = arith.constant 0 : i32
        %dma_wait3A_345 = arith.constant 0 : i32
        %dma_wait3A_346 = tpu.memref_slice %arg10[%dma_wait3A_344, %dma_wait3A_345] : memref<640x128xf32, #tpu.memory_space<vmem>> -> memref<128x128xf32, #tpu.memory_space<vmem>>
        tpu.wait_dma2 semaphore(%dma_wait3A_341 : memref<!tpu.dma_semaphore, #tpu.memory_space<semaphore_mem>>) src(%dma_wait3A_346 : memref<128x128xf32, #tpu.memory_space<vmem>>) dst(%dma_wait3A_343 : memref<128x128xf32, #tpu.memory_space<hbm>>)
      } else {
      }
      %mul3A_126 = arith.constant 5 : i32
      %mul3A_127 = arith.muli %scan3A_82, %mul3A_126 : i32
      %add3A_128 = arith.constant 2 : i32
      %add3A_129 = arith.addi %mul3A_127, %add3A_128 : i32
      %mul3A_130 = arith.constant 128 : i32
      %mul3A_131 = arith.muli %add3A_129, %mul3A_130 : i32
      %dma_start3A_132 = arith.constant 2 : i32
      %dma_start3A_133 = arith.constant 256 : i32
      %dma_start3A_134 = arith.constant 0 : i32
      %dma_start3A_135 = tpu.memref_slice %arg10[%dma_start3A_133, %dma_start3A_134] : memref<640x128xf32, #tpu.memory_space<vmem>> -> memref<128x128xf32, #tpu.memory_space<vmem>>
      %dma_start3A_136 = tpu.memref_slice %arg8[%mul3A_131] : memref<6400xi32, #tpu.memory_space<vmem>> -> memref<128xi32, #tpu.memory_space<vmem>>
      %dma_start3A_137 = arith.constant 0 : i32
      %dma_start3A_138 = arith.constant 0 : i32
      %dma_start3A_139 = tpu.memref_slice %arg2[%dma_start3A_137, %dma_start3A_138] : memref<100000x128xf32, #tpu.memory_space<hbm>> -> memref<100000x128xf32, #tpu.memory_space<hbm>>
      %dma_start3A_140 = tpu.memref_slice %arg11[%dma_start3A_132] : memref<5x!tpu.dma_semaphore, #tpu.memory_space<semaphore_mem>> -> memref<1x!tpu.dma_semaphore, #tpu.memory_space<semaphore_mem>>
      %dma_start3A_141 = tpu.memref_squeeze %dma_start3A_140 : memref<1x!tpu.dma_semaphore, #tpu.memory_space<semaphore_mem>> -> memref<!tpu.dma_semaphore, #tpu.memory_space<semaphore_mem>>
      tpu.enqueue_indirect_dma source(%dma_start3A_139 : memref<100000x128xf32, #tpu.memory_space<hbm>>) target(%dma_start3A_135 : memref<128x128xf32, #tpu.memory_space<vmem>>) offsets(%dma_start3A_136 : memref<128xi32, #tpu.memory_space<vmem>>) semaphore(%dma_start3A_141 : memref<!tpu.dma_semaphore, #tpu.memory_space<semaphore_mem>>)
      %gt3A_142 = arith.constant 0 : i32
      %gt3A_143 = arith.cmpi sgt, %scan3A_82, %gt3A_142 : i32
      %convert_element_type3A_144 = arith.extui %gt3A_143 : i1 to i32
      %cond3A_145 = arith.constant 0 : i32
      %cond3A_146 = arith.cmpi ne, %convert_element_type3A_144, %cond3A_145 : i32
      scf.if %cond3A_146 {
        %dma_wait3A_334 = arith.constant 3 : i32
        %dma_wait3A_335 = arith.constant 0 : i32
        %dma_wait3A_336 = arith.constant 0 : i32
        %dma_wait3A_337 = tpu.memref_slice %arg10[%dma_wait3A_335, %dma_wait3A_336] : memref<640x128xf32, #tpu.memory_space<vmem>> -> memref<128x128xf32, #tpu.memory_space<vmem>>
        %dma_wait3A_338 = arith.constant 0 : i32
        %dma_wait3A_339 = tpu.memref_slice %arg6[%mul3A_6, %dma_wait3A_338] : memref<204800x128xf32, #tpu.memory_space<hbm>> -> memref<128x128xf32, #tpu.memory_space<hbm>>
        %dma_wait3A_340 = tpu.memref_slice %arg12[%dma_wait3A_334] : memref<5x!tpu.dma_semaphore, #tpu.memory_space<semaphore_mem>> -> memref<1x!tpu.dma_semaphore, #tpu.memory_space<semaphore_mem>>
        %dma_wait3A_341 = tpu.memref_squeeze %dma_wait3A_340 : memref<1x!tpu.dma_semaphore, #tpu.memory_space<semaphore_mem>> -> memref<!tpu.dma_semaphore, #tpu.memory_space<semaphore_mem>>
        %dma_wait3A_342 = arith.constant 0 : i32
        %dma_wait3A_343 = tpu.memref_slice %arg6[%mul3A_6, %dma_wait3A_342] : memref<204800x128xf32, #tpu.memory_space<hbm>> -> memref<128x128xf32, #tpu.memory_space<hbm>>
        %dma_wait3A_344 = arith.constant 0 : i32
        %dma_wait3A_345 = arith.constant 0 : i32
        %dma_wait3A_346 = tpu.memref_slice %arg10[%dma_wait3A_344, %dma_wait3A_345] : memref<640x128xf32, #tpu.memory_space<vmem>> -> memref<128x128xf32, #tpu.memory_space<vmem>>
        tpu.wait_dma2 semaphore(%dma_wait3A_341 : memref<!tpu.dma_semaphore, #tpu.memory_space<semaphore_mem>>) src(%dma_wait3A_346 : memref<128x128xf32, #tpu.memory_space<vmem>>) dst(%dma_wait3A_343 : memref<128x128xf32, #tpu.memory_space<hbm>>)
      } else {
      }
      %mul3A_147 = arith.constant 5 : i32
      %mul3A_148 = arith.muli %scan3A_82, %mul3A_147 : i32
      %add3A_149 = arith.constant 3 : i32
      %add3A_150 = arith.addi %mul3A_148, %add3A_149 : i32
      %mul3A_151 = arith.constant 128 : i32
      %mul3A_152 = arith.muli %add3A_150, %mul3A_151 : i32
      %dma_start3A_153 = arith.constant 3 : i32
      %dma_start3A_154 = arith.constant 384 : i32
      %dma_start3A_155 = arith.constant 0 : i32
      %dma_start3A_156 = tpu.memref_slice %arg10[%dma_start3A_154, %dma_start3A_155] : memref<640x128xf32, #tpu.memory_space<vmem>> -> memref<128x128xf32, #tpu.memory_space<vmem>>
      %dma_start3A_157 = tpu.memref_slice %arg8[%mul3A_152] : memref<6400xi32, #tpu.memory_space<vmem>> -> memref<128xi32, #tpu.memory_space<vmem>>
      %dma_start3A_158 = arith.constant 0 : i32
      %dma_start3A_159 = arith.constant 0 : i32
      %dma_start3A_160 = tpu.memref_slice %arg2[%dma_start3A_158, %dma_start3A_159] : memref<100000x128xf32, #tpu.memory_space<hbm>> -> memref<100000x128xf32, #tpu.memory_space<hbm>>
      %dma_start3A_161 = tpu.memref_slice %arg11[%dma_start3A_153] : memref<5x!tpu.dma_semaphore, #tpu.memory_space<semaphore_mem>> -> memref<1x!tpu.dma_semaphore, #tpu.memory_space<semaphore_mem>>
      %dma_start3A_162 = tpu.memref_squeeze %dma_start3A_161 : memref<1x!tpu.dma_semaphore, #tpu.memory_space<semaphore_mem>> -> memref<!tpu.dma_semaphore, #tpu.memory_space<semaphore_mem>>
      tpu.enqueue_indirect_dma source(%dma_start3A_160 : memref<100000x128xf32, #tpu.memory_space<hbm>>) target(%dma_start3A_156 : memref<128x128xf32, #tpu.memory_space<vmem>>) offsets(%dma_start3A_157 : memref<128xi32, #tpu.memory_space<vmem>>) semaphore(%dma_start3A_162 : memref<!tpu.dma_semaphore, #tpu.memory_space<semaphore_mem>>)
      %gt3A_163 = arith.constant 0 : i32
      %gt3A_164 = arith.cmpi sgt, %scan3A_82, %gt3A_163 : i32
      %convert_element_type3A_165 = arith.extui %gt3A_164 : i1 to i32
      %cond3A_166 = arith.constant 0 : i32
      %cond3A_167 = arith.cmpi ne, %convert_element_type3A_165, %cond3A_166 : i32
      scf.if %cond3A_167 {
        %dma_wait3A_334 = arith.constant 4 : i32
        %dma_wait3A_335 = arith.constant 0 : i32
        %dma_wait3A_336 = arith.constant 0 : i32
        %dma_wait3A_337 = tpu.memref_slice %arg10[%dma_wait3A_335, %dma_wait3A_336] : memref<640x128xf32, #tpu.memory_space<vmem>> -> memref<128x128xf32, #tpu.memory_space<vmem>>
        %dma_wait3A_338 = arith.constant 0 : i32
        %dma_wait3A_339 = tpu.memref_slice %arg6[%mul3A_6, %dma_wait3A_338] : memref<204800x128xf32, #tpu.memory_space<hbm>> -> memref<128x128xf32, #tpu.memory_space<hbm>>
        %dma_wait3A_340 = tpu.memref_slice %arg12[%dma_wait3A_334] : memref<5x!tpu.dma_semaphore, #tpu.memory_space<semaphore_mem>> -> memref<1x!tpu.dma_semaphore, #tpu.memory_space<semaphore_mem>>
        %dma_wait3A_341 = tpu.memref_squeeze %dma_wait3A_340 : memref<1x!tpu.dma_semaphore, #tpu.memory_space<semaphore_mem>> -> memref<!tpu.dma_semaphore, #tpu.memory_space<semaphore_mem>>
        %dma_wait3A_342 = arith.constant 0 : i32
        %dma_wait3A_343 = tpu.memref_slice %arg6[%mul3A_6, %dma_wait3A_342] : memref<204800x128xf32, #tpu.memory_space<hbm>> -> memref<128x128xf32, #tpu.memory_space<hbm>>
        %dma_wait3A_344 = arith.constant 0 : i32
        %dma_wait3A_345 = arith.constant 0 : i32
        %dma_wait3A_346 = tpu.memref_slice %arg10[%dma_wait3A_344, %dma_wait3A_345] : memref<640x128xf32, #tpu.memory_space<vmem>> -> memref<128x128xf32, #tpu.memory_space<vmem>>
        tpu.wait_dma2 semaphore(%dma_wait3A_341 : memref<!tpu.dma_semaphore, #tpu.memory_space<semaphore_mem>>) src(%dma_wait3A_346 : memref<128x128xf32, #tpu.memory_space<vmem>>) dst(%dma_wait3A_343 : memref<128x128xf32, #tpu.memory_space<hbm>>)
      } else {
      }
      %mul3A_168 = arith.constant 5 : i32
      %mul3A_169 = arith.muli %scan3A_82, %mul3A_168 : i32
      %add3A_170 = arith.constant 4 : i32
      %add3A_171 = arith.addi %mul3A_169, %add3A_170 : i32
      %mul3A_172 = arith.constant 128 : i32
      %mul3A_173 = arith.muli %add3A_171, %mul3A_172 : i32
      %dma_start3A_174 = arith.constant 4 : i32
      %dma_start3A_175 = arith.constant 512 : i32
      %dma_start3A_176 = arith.constant 0 : i32
      %dma_start3A_177 = tpu.memref_slice %arg10[%dma_start3A_175, %dma_start3A_176] : memref<640x128xf32, #tpu.memory_space<vmem>> -> memref<128x128xf32, #tpu.memory_space<vmem>>
      %dma_start3A_178 = tpu.memref_slice %arg8[%mul3A_173] : memref<6400xi32, #tpu.memory_space<vmem>> -> memref<128xi32, #tpu.memory_space<vmem>>
      %dma_start3A_179 = arith.constant 0 : i32
      %dma_start3A_180 = arith.constant 0 : i32
      %dma_start3A_181 = tpu.memref_slice %arg2[%dma_start3A_179, %dma_start3A_180] : memref<100000x128xf32, #tpu.memory_space<hbm>> -> memref<100000x128xf32, #tpu.memory_space<hbm>>
      %dma_start3A_182 = tpu.memref_slice %arg11[%dma_start3A_174] : memref<5x!tpu.dma_semaphore, #tpu.memory_space<semaphore_mem>> -> memref<1x!tpu.dma_semaphore, #tpu.memory_space<semaphore_mem>>
      %dma_start3A_183 = tpu.memref_squeeze %dma_start3A_182 : memref<1x!tpu.dma_semaphore, #tpu.memory_space<semaphore_mem>> -> memref<!tpu.dma_semaphore, #tpu.memory_space<semaphore_mem>>
      tpu.enqueue_indirect_dma source(%dma_start3A_181 : memref<100000x128xf32, #tpu.memory_space<hbm>>) target(%dma_start3A_177 : memref<128x128xf32, #tpu.memory_space<vmem>>) offsets(%dma_start3A_178 : memref<128xi32, #tpu.memory_space<vmem>>) semaphore(%dma_start3A_183 : memref<!tpu.dma_semaphore, #tpu.memory_space<semaphore_mem>>)
      %dma_wait3A_184 = arith.constant 0 : i32
      %dma_wait3A_185 = arith.constant 0 : i32
      %dma_wait3A_186 = arith.constant 0 : i32
      %dma_wait3A_187 = tpu.memref_slice %arg10[%dma_wait3A_185, %dma_wait3A_186] : memref<640x128xf32, #tpu.memory_space<vmem>> -> memref<128x128xf32, #tpu.memory_space<vmem>>
      %dma_wait3A_188 = tpu.memref_slice %arg8[%mul3A_90] : memref<6400xi32, #tpu.memory_space<vmem>> -> memref<128xi32, #tpu.memory_space<vmem>>
      %dma_wait3A_189 = arith.constant 0 : i32
      %dma_wait3A_190 = arith.constant 0 : i32
      %dma_wait3A_191 = tpu.memref_slice %arg2[%dma_wait3A_189, %dma_wait3A_190] : memref<100000x128xf32, #tpu.memory_space<hbm>> -> memref<100000x128xf32, #tpu.memory_space<hbm>>
      %dma_wait3A_192 = tpu.memref_slice %arg11[%dma_wait3A_184] : memref<5x!tpu.dma_semaphore, #tpu.memory_space<semaphore_mem>> -> memref<1x!tpu.dma_semaphore, #tpu.memory_space<semaphore_mem>>
      %dma_wait3A_193 = tpu.memref_squeeze %dma_wait3A_192 : memref<1x!tpu.dma_semaphore, #tpu.memory_space<semaphore_mem>> -> memref<!tpu.dma_semaphore, #tpu.memory_space<semaphore_mem>>
      tpu.wait_indirect_dma semaphore(%dma_wait3A_193 : memref<!tpu.dma_semaphore, #tpu.memory_space<semaphore_mem>>) src(%dma_wait3A_191 : memref<100000x128xf32, #tpu.memory_space<hbm>>) dst(%dma_wait3A_187 : memref<128x128xf32, #tpu.memory_space<vmem>>)
      %mul3A_194 = arith.constant 5 : i32
      %mul3A_195 = arith.muli %scan3A_82, %mul3A_194 : i32
      %add3A_196 = arith.constant 0 : i32
      %add3A_197 = arith.addi %mul3A_195, %add3A_196 : i32
      %mul3A_198 = arith.constant 128 : i32
      %mul3A_199 = arith.muli %add3A_197, %mul3A_198 : i32
      %add3A_200 = arith.addi %mul3A_6, %mul3A_199 : i32
      %dma_start3A_201 = arith.constant 0 : i32
      %dma_start3A_202 = arith.constant 0 : i32
      %dma_start3A_203 = arith.constant 0 : i32
      %dma_start3A_204 = tpu.memref_slice %arg10[%dma_start3A_202, %dma_start3A_203] : memref<640x128xf32, #tpu.memory_space<vmem>> -> memref<128x128xf32, #tpu.memory_space<vmem>>
      %dma_start3A_205 = arith.constant 0 : i32
      %dma_start3A_206 = tpu.memref_slice %arg6[%add3A_200, %dma_start3A_205] : memref<204800x128xf32, #tpu.memory_space<hbm>> -> memref<128x128xf32, #tpu.memory_space<hbm>>
      %dma_start3A_207 = tpu.memref_slice %arg12[%dma_start3A_201] : memref<5x!tpu.dma_semaphore, #tpu.memory_space<semaphore_mem>> -> memref<1x!tpu.dma_semaphore, #tpu.memory_space<semaphore_mem>>
      %dma_start3A_208 = tpu.memref_squeeze %dma_start3A_207 : memref<1x!tpu.dma_semaphore, #tpu.memory_space<semaphore_mem>> -> memref<!tpu.dma_semaphore, #tpu.memory_space<semaphore_mem>>
      %dma_start3A_209 = arith.constant 0 : i32
      %dma_start3A_210 = tpu.memref_slice %arg6[%add3A_200, %dma_start3A_209] : memref<204800x128xf32, #tpu.memory_space<hbm>> -> memref<128x128xf32, #tpu.memory_space<hbm>>
      %dma_start3A_211 = arith.constant 0 : i32
      %dma_start3A_212 = arith.constant 0 : i32
      %dma_start3A_213 = tpu.memref_slice %arg10[%dma_start3A_211, %dma_start3A_212] : memref<640x128xf32, #tpu.memory_space<vmem>> -> memref<128x128xf32, #tpu.memory_space<vmem>>
      tpu.enqueue_dma source(%dma_start3A_213 : memref<128x128xf32, #tpu.memory_space<vmem>>) target(%dma_start3A_210 : memref<128x128xf32, #tpu.memory_space<hbm>>) target_semaphore(%dma_start3A_208 : memref<!tpu.dma_semaphore, #tpu.memory_space<semaphore_mem>>)
      %dma_wait3A_214 = arith.constant 1 : i32
      %dma_wait3A_215 = arith.constant 128 : i32
      %dma_wait3A_216 = arith.constant 0 : i32
      %dma_wait3A_217 = tpu.memref_slice %arg10[%dma_wait3A_215, %dma_wait3A_216] : memref<640x128xf32, #tpu.memory_space<vmem>> -> memref<128x128xf32, #tpu.memory_space<vmem>>
      %dma_wait3A_218 = tpu.memref_slice %arg8[%mul3A_110] : memref<6400xi32, #tpu.memory_space<vmem>> -> memref<128xi32, #tpu.memory_space<vmem>>
      %dma_wait3A_219 = arith.constant 0 : i32
      %dma_wait3A_220 = arith.constant 0 : i32
      %dma_wait3A_221 = tpu.memref_slice %arg2[%dma_wait3A_219, %dma_wait3A_220] : memref<100000x128xf32, #tpu.memory_space<hbm>> -> memref<100000x128xf32, #tpu.memory_space<hbm>>
      %dma_wait3A_222 = tpu.memref_slice %arg11[%dma_wait3A_214] : memref<5x!tpu.dma_semaphore, #tpu.memory_space<semaphore_mem>> -> memref<1x!tpu.dma_semaphore, #tpu.memory_space<semaphore_mem>>
      %dma_wait3A_223 = tpu.memref_squeeze %dma_wait3A_222 : memref<1x!tpu.dma_semaphore, #tpu.memory_space<semaphore_mem>> -> memref<!tpu.dma_semaphore, #tpu.memory_space<semaphore_mem>>
      tpu.wait_indirect_dma semaphore(%dma_wait3A_223 : memref<!tpu.dma_semaphore, #tpu.memory_space<semaphore_mem>>) src(%dma_wait3A_221 : memref<100000x128xf32, #tpu.memory_space<hbm>>) dst(%dma_wait3A_217 : memref<128x128xf32, #tpu.memory_space<vmem>>)
      %mul3A_224 = arith.constant 5 : i32
      %mul3A_225 = arith.muli %scan3A_82, %mul3A_224 : i32
      %add3A_226 = arith.constant 1 : i32
      %add3A_227 = arith.addi %mul3A_225, %add3A_226 : i32
      %mul3A_228 = arith.constant 128 : i32
      %mul3A_229 = arith.muli %add3A_227, %mul3A_228 : i32
      %add3A_230 = arith.addi %mul3A_6, %mul3A_229 : i32
      %dma_start3A_231 = arith.constant 1 : i32
      %dma_start3A_232 = arith.constant 128 : i32
      %dma_start3A_233 = arith.constant 0 : i32
      %dma_start3A_234 = tpu.memref_slice %arg10[%dma_start3A_232, %dma_start3A_233] : memref<640x128xf32, #tpu.memory_space<vmem>> -> memref<128x128xf32, #tpu.memory_space<vmem>>
      %dma_start3A_235 = arith.constant 0 : i32
      %dma_start3A_236 = tpu.memref_slice %arg6[%add3A_230, %dma_start3A_235] : memref<204800x128xf32, #tpu.memory_space<hbm>> -> memref<128x128xf32, #tpu.memory_space<hbm>>
      %dma_start3A_237 = tpu.memref_slice %arg12[%dma_start3A_231] : memref<5x!tpu.dma_semaphore, #tpu.memory_space<semaphore_mem>> -> memref<1x!tpu.dma_semaphore, #tpu.memory_space<semaphore_mem>>
      %dma_start3A_238 = tpu.memref_squeeze %dma_start3A_237 : memref<1x!tpu.dma_semaphore, #tpu.memory_space<semaphore_mem>> -> memref<!tpu.dma_semaphore, #tpu.memory_space<semaphore_mem>>
      %dma_start3A_239 = arith.constant 0 : i32
      %dma_start3A_240 = tpu.memref_slice %arg6[%add3A_230, %dma_start3A_239] : memref<204800x128xf32, #tpu.memory_space<hbm>> -> memref<128x128xf32, #tpu.memory_space<hbm>>
      %dma_start3A_241 = arith.constant 128 : i32
      %dma_start3A_242 = arith.constant 0 : i32
      %dma_start3A_243 = tpu.memref_slice %arg10[%dma_start3A_241, %dma_start3A_242] : memref<640x128xf32, #tpu.memory_space<vmem>> -> memref<128x128xf32, #tpu.memory_space<vmem>>
      tpu.enqueue_dma source(%dma_start3A_243 : memref<128x128xf32, #tpu.memory_space<vmem>>) target(%dma_start3A_240 : memref<128x128xf32, #tpu.memory_space<hbm>>) target_semaphore(%dma_start3A_238 : memref<!tpu.dma_semaphore, #tpu.memory_space<semaphore_mem>>)
      %dma_wait3A_244 = arith.constant 2 : i32
      %dma_wait3A_245 = arith.constant 256 : i32
      %dma_wait3A_246 = arith.constant 0 : i32
      %dma_wait3A_247 = tpu.memref_slice %arg10[%dma_wait3A_245, %dma_wait3A_246] : memref<640x128xf32, #tpu.memory_space<vmem>> -> memref<128x128xf32, #tpu.memory_space<vmem>>
      %dma_wait3A_248 = tpu.memref_slice %arg8[%mul3A_131] : memref<6400xi32, #tpu.memory_space<vmem>> -> memref<128xi32, #tpu.memory_space<vmem>>
      %dma_wait3A_249 = arith.constant 0 : i32
      %dma_wait3A_250 = arith.constant 0 : i32
      %dma_wait3A_251 = tpu.memref_slice %arg2[%dma_wait3A_249, %dma_wait3A_250] : memref<100000x128xf32, #tpu.memory_space<hbm>> -> memref<100000x128xf32, #tpu.memory_space<hbm>>
      %dma_wait3A_252 = tpu.memref_slice %arg11[%dma_wait3A_244] : memref<5x!tpu.dma_semaphore, #tpu.memory_space<semaphore_mem>> -> memref<1x!tpu.dma_semaphore, #tpu.memory_space<semaphore_mem>>
      %dma_wait3A_253 = tpu.memref_squeeze %dma_wait3A_252 : memref<1x!tpu.dma_semaphore, #tpu.memory_space<semaphore_mem>> -> memref<!tpu.dma_semaphore, #tpu.memory_space<semaphore_mem>>
      tpu.wait_indirect_dma semaphore(%dma_wait3A_253 : memref<!tpu.dma_semaphore, #tpu.memory_space<semaphore_mem>>) src(%dma_wait3A_251 : memref<100000x128xf32, #tpu.memory_space<hbm>>) dst(%dma_wait3A_247 : memref<128x128xf32, #tpu.memory_space<vmem>>)
      %mul3A_254 = arith.constant 5 : i32
      %mul3A_255 = arith.muli %scan3A_82, %mul3A_254 : i32
      %add3A_256 = arith.constant 2 : i32
      %add3A_257 = arith.addi %mul3A_255, %add3A_256 : i32
      %mul3A_258 = arith.constant 128 : i32
      %mul3A_259 = arith.muli %add3A_257, %mul3A_258 : i32
      %add3A_260 = arith.addi %mul3A_6, %mul3A_259 : i32
      %dma_start3A_261 = arith.constant 2 : i32
      %dma_start3A_262 = arith.constant 256 : i32
      %dma_start3A_263 = arith.constant 0 : i32
      %dma_start3A_264 = tpu.memref_slice %arg10[%dma_start3A_262, %dma_start3A_263] : memref<640x128xf32, #tpu.memory_space<vmem>> -> memref<128x128xf32, #tpu.memory_space<vmem>>
      %dma_start3A_265 = arith.constant 0 : i32
      %dma_start3A_266 = tpu.memref_slice %arg6[%add3A_260, %dma_start3A_265] : memref<204800x128xf32, #tpu.memory_space<hbm>> -> memref<128x128xf32, #tpu.memory_space<hbm>>
      %dma_start3A_267 = tpu.memref_slice %arg12[%dma_start3A_261] : memref<5x!tpu.dma_semaphore, #tpu.memory_space<semaphore_mem>> -> memref<1x!tpu.dma_semaphore, #tpu.memory_space<semaphore_mem>>
      %dma_start3A_268 = tpu.memref_squeeze %dma_start3A_267 : memref<1x!tpu.dma_semaphore, #tpu.memory_space<semaphore_mem>> -> memref<!tpu.dma_semaphore, #tpu.memory_space<semaphore_mem>>
      %dma_start3A_269 = arith.constant 0 : i32
      %dma_start3A_270 = tpu.memref_slice %arg6[%add3A_260, %dma_start3A_269] : memref<204800x128xf32, #tpu.memory_space<hbm>> -> memref<128x128xf32, #tpu.memory_space<hbm>>
      %dma_start3A_271 = arith.constant 256 : i32
      %dma_start3A_272 = arith.constant 0 : i32
      %dma_start3A_273 = tpu.memref_slice %arg10[%dma_start3A_271, %dma_start3A_272] : memref<640x128xf32, #tpu.memory_space<vmem>> -> memref<128x128xf32, #tpu.memory_space<vmem>>
      tpu.enqueue_dma source(%dma_start3A_273 : memref<128x128xf32, #tpu.memory_space<vmem>>) target(%dma_start3A_270 : memref<128x128xf32, #tpu.memory_space<hbm>>) target_semaphore(%dma_start3A_268 : memref<!tpu.dma_semaphore, #tpu.memory_space<semaphore_mem>>)
      %dma_wait3A_274 = arith.constant 3 : i32
      %dma_wait3A_275 = arith.constant 384 : i32
      %dma_wait3A_276 = arith.constant 0 : i32
      %dma_wait3A_277 = tpu.memref_slice %arg10[%dma_wait3A_275, %dma_wait3A_276] : memref<640x128xf32, #tpu.memory_space<vmem>> -> memref<128x128xf32, #tpu.memory_space<vmem>>
      %dma_wait3A_278 = tpu.memref_slice %arg8[%mul3A_152] : memref<6400xi32, #tpu.memory_space<vmem>> -> memref<128xi32, #tpu.memory_space<vmem>>
      %dma_wait3A_279 = arith.constant 0 : i32
      %dma_wait3A_280 = arith.constant 0 : i32
      %dma_wait3A_281 = tpu.memref_slice %arg2[%dma_wait3A_279, %dma_wait3A_280] : memref<100000x128xf32, #tpu.memory_space<hbm>> -> memref<100000x128xf32, #tpu.memory_space<hbm>>
      %dma_wait3A_282 = tpu.memref_slice %arg11[%dma_wait3A_274] : memref<5x!tpu.dma_semaphore, #tpu.memory_space<semaphore_mem>> -> memref<1x!tpu.dma_semaphore, #tpu.memory_space<semaphore_mem>>
      %dma_wait3A_283 = tpu.memref_squeeze %dma_wait3A_282 : memref<1x!tpu.dma_semaphore, #tpu.memory_space<semaphore_mem>> -> memref<!tpu.dma_semaphore, #tpu.memory_space<semaphore_mem>>
      tpu.wait_indirect_dma semaphore(%dma_wait3A_283 : memref<!tpu.dma_semaphore, #tpu.memory_space<semaphore_mem>>) src(%dma_wait3A_281 : memref<100000x128xf32, #tpu.memory_space<hbm>>) dst(%dma_wait3A_277 : memref<128x128xf32, #tpu.memory_space<vmem>>)
      %mul3A_284 = arith.constant 5 : i32
      %mul3A_285 = arith.muli %scan3A_82, %mul3A_284 : i32
      %add3A_286 = arith.constant 3 : i32
      %add3A_287 = arith.addi %mul3A_285, %add3A_286 : i32
      %mul3A_288 = arith.constant 128 : i32
      %mul3A_289 = arith.muli %add3A_287, %mul3A_288 : i32
      %add3A_290 = arith.addi %mul3A_6, %mul3A_289 : i32
      %dma_start3A_291 = arith.constant 3 : i32
      %dma_start3A_292 = arith.constant 384 : i32
      %dma_start3A_293 = arith.constant 0 : i32
      %dma_start3A_294 = tpu.memref_slice %arg10[%dma_start3A_292, %dma_start3A_293] : memref<640x128xf32, #tpu.memory_space<vmem>> -> memref<128x128xf32, #tpu.memory_space<vmem>>
      %dma_start3A_295 = arith.constant 0 : i32
      %dma_start3A_296 = tpu.memref_slice %arg6[%add3A_290, %dma_start3A_295] : memref<204800x128xf32, #tpu.memory_space<hbm>> -> memref<128x128xf32, #tpu.memory_space<hbm>>
      %dma_start3A_297 = tpu.memref_slice %arg12[%dma_start3A_291] : memref<5x!tpu.dma_semaphore, #tpu.memory_space<semaphore_mem>> -> memref<1x!tpu.dma_semaphore, #tpu.memory_space<semaphore_mem>>
      %dma_start3A_298 = tpu.memref_squeeze %dma_start3A_297 : memref<1x!tpu.dma_semaphore, #tpu.memory_space<semaphore_mem>> -> memref<!tpu.dma_semaphore, #tpu.memory_space<semaphore_mem>>
      %dma_start3A_299 = arith.constant 0 : i32
      %dma_start3A_300 = tpu.memref_slice %arg6[%add3A_290, %dma_start3A_299] : memref<204800x128xf32, #tpu.memory_space<hbm>> -> memref<128x128xf32, #tpu.memory_space<hbm>>
      %dma_start3A_301 = arith.constant 384 : i32
      %dma_start3A_302 = arith.constant 0 : i32
      %dma_start3A_303 = tpu.memref_slice %arg10[%dma_start3A_301, %dma_start3A_302] : memref<640x128xf32, #tpu.memory_space<vmem>> -> memref<128x128xf32, #tpu.memory_space<vmem>>
      tpu.enqueue_dma source(%dma_start3A_303 : memref<128x128xf32, #tpu.memory_space<vmem>>) target(%dma_start3A_300 : memref<128x128xf32, #tpu.memory_space<hbm>>) target_semaphore(%dma_start3A_298 : memref<!tpu.dma_semaphore, #tpu.memory_space<semaphore_mem>>)
      %dma_wait3A_304 = arith.constant 4 : i32
      %dma_wait3A_305 = arith.constant 512 : i32
      %dma_wait3A_306 = arith.constant 0 : i32
      %dma_wait3A_307 = tpu.memref_slice %arg10[%dma_wait3A_305, %dma_wait3A_306] : memref<640x128xf32, #tpu.memory_space<vmem>> -> memref<128x128xf32, #tpu.memory_space<vmem>>
      %dma_wait3A_308 = tpu.memref_slice %arg8[%mul3A_173] : memref<6400xi32, #tpu.memory_space<vmem>> -> memref<128xi32, #tpu.memory_space<vmem>>
      %dma_wait3A_309 = arith.constant 0 : i32
      %dma_wait3A_310 = arith.constant 0 : i32
      %dma_wait3A_311 = tpu.memref_slice %arg2[%dma_wait3A_309, %dma_wait3A_310] : memref<100000x128xf32, #tpu.memory_space<hbm>> -> memref<100000x128xf32, #tpu.memory_space<hbm>>
      %dma_wait3A_312 = tpu.memref_slice %arg11[%dma_wait3A_304] : memref<5x!tpu.dma_semaphore, #tpu.memory_space<semaphore_mem>> -> memref<1x!tpu.dma_semaphore, #tpu.memory_space<semaphore_mem>>
      %dma_wait3A_313 = tpu.memref_squeeze %dma_wait3A_312 : memref<1x!tpu.dma_semaphore, #tpu.memory_space<semaphore_mem>> -> memref<!tpu.dma_semaphore, #tpu.memory_space<semaphore_mem>>
      tpu.wait_indirect_dma semaphore(%dma_wait3A_313 : memref<!tpu.dma_semaphore, #tpu.memory_space<semaphore_mem>>) src(%dma_wait3A_311 : memref<100000x128xf32, #tpu.memory_space<hbm>>) dst(%dma_wait3A_307 : memref<128x128xf32, #tpu.memory_space<vmem>>)
      %mul3A_314 = arith.constant 5 : i32
      %mul3A_315 = arith.muli %scan3A_82, %mul3A_314 : i32
      %add3A_316 = arith.constant 4 : i32
      %add3A_317 = arith.addi %mul3A_315, %add3A_316 : i32
      %mul3A_318 = arith.constant 128 : i32
      %mul3A_319 = arith.muli %add3A_317, %mul3A_318 : i32
      %add3A_320 = arith.addi %mul3A_6, %mul3A_319 : i32
      %dma_start3A_321 = arith.constant 4 : i32
      %dma_start3A_322 = arith.constant 512 : i32
      %dma_start3A_323 = arith.constant 0 : i32
      %dma_start3A_324 = tpu.memref_slice %arg10[%dma_start3A_322, %dma_start3A_323] : memref<640x128xf32, #tpu.memory_space<vmem>> -> memref<128x128xf32, #tpu.memory_space<vmem>>
      %dma_start3A_325 = arith.constant 0 : i32
      %dma_start3A_326 = tpu.memref_slice %arg6[%add3A_320, %dma_start3A_325] : memref<204800x128xf32, #tpu.memory_space<hbm>> -> memref<128x128xf32, #tpu.memory_space<hbm>>
      %dma_start3A_327 = tpu.memref_slice %arg12[%dma_start3A_321] : memref<5x!tpu.dma_semaphore, #tpu.memory_space<semaphore_mem>> -> memref<1x!tpu.dma_semaphore, #tpu.memory_space<semaphore_mem>>
      %dma_start3A_328 = tpu.memref_squeeze %dma_start3A_327 : memref<1x!tpu.dma_semaphore, #tpu.memory_space<semaphore_mem>> -> memref<!tpu.dma_semaphore, #tpu.memory_space<semaphore_mem>>
      %dma_start3A_329 = arith.constant 0 : i32
      %dma_start3A_330 = tpu.memref_slice %arg6[%add3A_320, %dma_start3A_329] : memref<204800x128xf32, #tpu.memory_space<hbm>> -> memref<128x128xf32, #tpu.memory_space<hbm>>
      %dma_start3A_331 = arith.constant 512 : i32
      %dma_start3A_332 = arith.constant 0 : i32
      %dma_start3A_333 = tpu.memref_slice %arg10[%dma_start3A_331, %dma_start3A_332] : memref<640x128xf32, #tpu.memory_space<vmem>> -> memref<128x128xf32, #tpu.memory_space<vmem>>
      tpu.enqueue_dma source(%dma_start3A_333 : memref<128x128xf32, #tpu.memory_space<vmem>>) target(%dma_start3A_330 : memref<128x128xf32, #tpu.memory_space<hbm>>) target_semaphore(%dma_start3A_328 : memref<!tpu.dma_semaphore, #tpu.memory_space<semaphore_mem>>)
    }
    %scan3A_11 = arith.constant 10 : i32
    %scan3A_12 = arith.constant 0 : i32
    %scan3A_13 = arith.constant 0 : i32
    %scan3A_14 = arith.constant 10 : i32
    %scan3A_15 = arith.addi %scan3A_13, %scan3A_14 : i32
    %scan3A_16 = arith.constant 1 : i32
    scf.for %scan3A_82 = %scan3A_13 to %scan3A_15 step %scan3A_16  : i32 {
      %gt3A = arith.constant 0 : i32
      %gt3A_83 = arith.cmpi sgt, %scan3A_82, %gt3A : i32
      %convert_element_type3A = arith.extui %gt3A_83 : i1 to i32
      %cond3A = arith.constant 0 : i32
      %cond3A_84 = arith.cmpi ne, %convert_element_type3A, %cond3A : i32
      scf.if %cond3A_84 {
        %dma_wait3A_358 = arith.constant 0 : i32
        %dma_wait3A_359 = arith.constant 0 : i32
        %dma_wait3A_360 = arith.constant 0 : i32
        %dma_wait3A_361 = tpu.memref_slice %arg10[%dma_wait3A_359, %dma_wait3A_360] : memref<640x128xf32, #tpu.memory_space<vmem>> -> memref<128x128xf32, #tpu.memory_space<vmem>>
        %dma_wait3A_362 = arith.constant 0 : i32
        %dma_wait3A_363 = tpu.memref_slice %arg7[%mul3A_6, %dma_wait3A_362] : memref<204800x128xf32, #tpu.memory_space<hbm>> -> memref<128x128xf32, #tpu.memory_space<hbm>>
        %dma_wait3A_364 = tpu.memref_slice %arg12[%dma_wait3A_358] : memref<5x!tpu.dma_semaphore, #tpu.memory_space<semaphore_mem>> -> memref<1x!tpu.dma_semaphore, #tpu.memory_space<semaphore_mem>>
        %dma_wait3A_365 = tpu.memref_squeeze %dma_wait3A_364 : memref<1x!tpu.dma_semaphore, #tpu.memory_space<semaphore_mem>> -> memref<!tpu.dma_semaphore, #tpu.memory_space<semaphore_mem>>
        %dma_wait3A_366 = arith.constant 0 : i32
        %dma_wait3A_367 = tpu.memref_slice %arg7[%mul3A_6, %dma_wait3A_366] : memref<204800x128xf32, #tpu.memory_space<hbm>> -> memref<128x128xf32, #tpu.memory_space<hbm>>
        %dma_wait3A_368 = arith.constant 0 : i32
        %dma_wait3A_369 = arith.constant 0 : i32
        %dma_wait3A_370 = tpu.memref_slice %arg10[%dma_wait3A_368, %dma_wait3A_369] : memref<640x128xf32, #tpu.memory_space<vmem>> -> memref<128x128xf32, #tpu.memory_space<vmem>>
        tpu.wait_dma2 semaphore(%dma_wait3A_365 : memref<!tpu.dma_semaphore, #tpu.memory_space<semaphore_mem>>) src(%dma_wait3A_370 : memref<128x128xf32, #tpu.memory_space<vmem>>) dst(%dma_wait3A_367 : memref<128x128xf32, #tpu.memory_space<hbm>>)
      } else {
      }
      %eq3A = arith.constant 0 : i32
      %eq3A_85 = arith.cmpi eq, %scan3A_82, %eq3A : i32
      %convert_element_type3A_86 = arith.extui %eq3A_85 : i1 to i32
      %cond3A_87 = arith.constant 0 : i32
      %cond3A_88 = arith.cmpi ne, %convert_element_type3A_86, %cond3A_87 : i32
      scf.if %cond3A_88 {
        %dma_wait3A_358 = arith.constant 0 : i32
        %dma_wait3A_359 = arith.constant 0 : i32
        %dma_wait3A_360 = arith.constant 0 : i32
        %dma_wait3A_361 = tpu.memref_slice %arg10[%dma_wait3A_359, %dma_wait3A_360] : memref<640x128xf32, #tpu.memory_space<vmem>> -> memref<128x128xf32, #tpu.memory_space<vmem>>
        %dma_wait3A_362 = arith.constant 0 : i32
        %dma_wait3A_363 = tpu.memref_slice %arg6[%mul3A_6, %dma_wait3A_362] : memref<204800x128xf32, #tpu.memory_space<hbm>> -> memref<128x128xf32, #tpu.memory_space<hbm>>
        %dma_wait3A_364 = tpu.memref_slice %arg12[%dma_wait3A_358] : memref<5x!tpu.dma_semaphore, #tpu.memory_space<semaphore_mem>> -> memref<1x!tpu.dma_semaphore, #tpu.memory_space<semaphore_mem>>
        %dma_wait3A_365 = tpu.memref_squeeze %dma_wait3A_364 : memref<1x!tpu.dma_semaphore, #tpu.memory_space<semaphore_mem>> -> memref<!tpu.dma_semaphore, #tpu.memory_space<semaphore_mem>>
        %dma_wait3A_366 = arith.constant 0 : i32
        %dma_wait3A_367 = tpu.memref_slice %arg6[%mul3A_6, %dma_wait3A_366] : memref<204800x128xf32, #tpu.memory_space<hbm>> -> memref<128x128xf32, #tpu.memory_space<hbm>>
        %dma_wait3A_368 = arith.constant 0 : i32
        %dma_wait3A_369 = arith.constant 0 : i32
        %dma_wait3A_370 = tpu.memref_slice %arg10[%dma_wait3A_368, %dma_wait3A_369] : memref<640x128xf32, #tpu.memory_space<vmem>> -> memref<128x128xf32, #tpu.memory_space<vmem>>
        tpu.wait_dma2 semaphore(%dma_wait3A_365 : memref<!tpu.dma_semaphore, #tpu.memory_space<semaphore_mem>>) src(%dma_wait3A_370 : memref<128x128xf32, #tpu.memory_space<vmem>>) dst(%dma_wait3A_367 : memref<128x128xf32, #tpu.memory_space<hbm>>)
      } else {
      }
      %mul3A_89 = arith.constant 5 : i32
      %mul3A_90 = arith.muli %scan3A_82, %mul3A_89 : i32
      %add3A_91 = arith.constant 0 : i32
      %add3A_92 = arith.addi %mul3A_90, %add3A_91 : i32
      %mul3A_93 = arith.constant 128 : i32
      %mul3A_94 = arith.muli %add3A_92, %mul3A_93 : i32
      %dma_start3A = arith.constant 0 : i32
      %dma_start3A_95 = arith.constant 0 : i32
      %dma_start3A_96 = arith.constant 0 : i32
      %dma_start3A_97 = tpu.memref_slice %arg10[%dma_start3A_95, %dma_start3A_96] : memref<640x128xf32, #tpu.memory_space<vmem>> -> memref<128x128xf32, #tpu.memory_space<vmem>>
      %dma_start3A_98 = tpu.memref_slice %arg9[%mul3A_94] : memref<6400xi32, #tpu.memory_space<vmem>> -> memref<128xi32, #tpu.memory_space<vmem>>
      %dma_start3A_99 = arith.constant 0 : i32
      %dma_start3A_100 = arith.constant 0 : i32
      %dma_start3A_101 = tpu.memref_slice %arg3[%dma_start3A_99, %dma_start3A_100] : memref<100000x128xf32, #tpu.memory_space<hbm>> -> memref<100000x128xf32, #tpu.memory_space<hbm>>
      %dma_start3A_102 = tpu.memref_slice %arg11[%dma_start3A] : memref<5x!tpu.dma_semaphore, #tpu.memory_space<semaphore_mem>> -> memref<1x!tpu.dma_semaphore, #tpu.memory_space<semaphore_mem>>
      %dma_start3A_103 = tpu.memref_squeeze %dma_start3A_102 : memref<1x!tpu.dma_semaphore, #tpu.memory_space<semaphore_mem>> -> memref<!tpu.dma_semaphore, #tpu.memory_space<semaphore_mem>>
      tpu.enqueue_indirect_dma source(%dma_start3A_101 : memref<100000x128xf32, #tpu.memory_space<hbm>>) target(%dma_start3A_97 : memref<128x128xf32, #tpu.memory_space<vmem>>) offsets(%dma_start3A_98 : memref<128xi32, #tpu.memory_space<vmem>>) semaphore(%dma_start3A_103 : memref<!tpu.dma_semaphore, #tpu.memory_space<semaphore_mem>>)
      %gt3A_104 = arith.constant 0 : i32
      %gt3A_105 = arith.cmpi sgt, %scan3A_82, %gt3A_104 : i32
      %convert_element_type3A_106 = arith.extui %gt3A_105 : i1 to i32
      %cond3A_107 = arith.constant 0 : i32
      %cond3A_108 = arith.cmpi ne, %convert_element_type3A_106, %cond3A_107 : i32
      scf.if %cond3A_108 {
        %dma_wait3A_358 = arith.constant 1 : i32
        %dma_wait3A_359 = arith.constant 0 : i32
        %dma_wait3A_360 = arith.constant 0 : i32
        %dma_wait3A_361 = tpu.memref_slice %arg10[%dma_wait3A_359, %dma_wait3A_360] : memref<640x128xf32, #tpu.memory_space<vmem>> -> memref<128x128xf32, #tpu.memory_space<vmem>>
        %dma_wait3A_362 = arith.constant 0 : i32
        %dma_wait3A_363 = tpu.memref_slice %arg7[%mul3A_6, %dma_wait3A_362] : memref<204800x128xf32, #tpu.memory_space<hbm>> -> memref<128x128xf32, #tpu.memory_space<hbm>>
        %dma_wait3A_364 = tpu.memref_slice %arg12[%dma_wait3A_358] : memref<5x!tpu.dma_semaphore, #tpu.memory_space<semaphore_mem>> -> memref<1x!tpu.dma_semaphore, #tpu.memory_space<semaphore_mem>>
        %dma_wait3A_365 = tpu.memref_squeeze %dma_wait3A_364 : memref<1x!tpu.dma_semaphore, #tpu.memory_space<semaphore_mem>> -> memref<!tpu.dma_semaphore, #tpu.memory_space<semaphore_mem>>
        %dma_wait3A_366 = arith.constant 0 : i32
        %dma_wait3A_367 = tpu.memref_slice %arg7[%mul3A_6, %dma_wait3A_366] : memref<204800x128xf32, #tpu.memory_space<hbm>> -> memref<128x128xf32, #tpu.memory_space<hbm>>
        %dma_wait3A_368 = arith.constant 0 : i32
        %dma_wait3A_369 = arith.constant 0 : i32
        %dma_wait3A_370 = tpu.memref_slice %arg10[%dma_wait3A_368, %dma_wait3A_369] : memref<640x128xf32, #tpu.memory_space<vmem>> -> memref<128x128xf32, #tpu.memory_space<vmem>>
        tpu.wait_dma2 semaphore(%dma_wait3A_365 : memref<!tpu.dma_semaphore, #tpu.memory_space<semaphore_mem>>) src(%dma_wait3A_370 : memref<128x128xf32, #tpu.memory_space<vmem>>) dst(%dma_wait3A_367 : memref<128x128xf32, #tpu.memory_space<hbm>>)
      } else {
      }
      %eq3A_109 = arith.constant 0 : i32
      %eq3A_110 = arith.cmpi eq, %scan3A_82, %eq3A_109 : i32
      %convert_element_type3A_111 = arith.extui %eq3A_110 : i1 to i32
      %cond3A_112 = arith.constant 0 : i32
      %cond3A_113 = arith.cmpi ne, %convert_element_type3A_111, %cond3A_112 : i32
      scf.if %cond3A_113 {
        %dma_wait3A_358 = arith.constant 1 : i32
        %dma_wait3A_359 = arith.constant 0 : i32
        %dma_wait3A_360 = arith.constant 0 : i32
        %dma_wait3A_361 = tpu.memref_slice %arg10[%dma_wait3A_359, %dma_wait3A_360] : memref<640x128xf32, #tpu.memory_space<vmem>> -> memref<128x128xf32, #tpu.memory_space<vmem>>
        %dma_wait3A_362 = arith.constant 0 : i32
        %dma_wait3A_363 = tpu.memref_slice %arg6[%mul3A_6, %dma_wait3A_362] : memref<204800x128xf32, #tpu.memory_space<hbm>> -> memref<128x128xf32, #tpu.memory_space<hbm>>
        %dma_wait3A_364 = tpu.memref_slice %arg12[%dma_wait3A_358] : memref<5x!tpu.dma_semaphore, #tpu.memory_space<semaphore_mem>> -> memref<1x!tpu.dma_semaphore, #tpu.memory_space<semaphore_mem>>
        %dma_wait3A_365 = tpu.memref_squeeze %dma_wait3A_364 : memref<1x!tpu.dma_semaphore, #tpu.memory_space<semaphore_mem>> -> memref<!tpu.dma_semaphore, #tpu.memory_space<semaphore_mem>>
        %dma_wait3A_366 = arith.constant 0 : i32
        %dma_wait3A_367 = tpu.memref_slice %arg6[%mul3A_6, %dma_wait3A_366] : memref<204800x128xf32, #tpu.memory_space<hbm>> -> memref<128x128xf32, #tpu.memory_space<hbm>>
        %dma_wait3A_368 = arith.constant 0 : i32
        %dma_wait3A_369 = arith.constant 0 : i32
        %dma_wait3A_370 = tpu.memref_slice %arg10[%dma_wait3A_368, %dma_wait3A_369] : memref<640x128xf32, #tpu.memory_space<vmem>> -> memref<128x128xf32, #tpu.memory_space<vmem>>
        tpu.wait_dma2 semaphore(%dma_wait3A_365 : memref<!tpu.dma_semaphore, #tpu.memory_space<semaphore_mem>>) src(%dma_wait3A_370 : memref<128x128xf32, #tpu.memory_space<vmem>>) dst(%dma_wait3A_367 : memref<128x128xf32, #tpu.memory_space<hbm>>)
      } else {
      }
      %mul3A_114 = arith.constant 5 : i32
      %mul3A_115 = arith.muli %scan3A_82, %mul3A_114 : i32
      %add3A_116 = arith.constant 1 : i32
      %add3A_117 = arith.addi %mul3A_115, %add3A_116 : i32
      %mul3A_118 = arith.constant 128 : i32
      %mul3A_119 = arith.muli %add3A_117, %mul3A_118 : i32
      %dma_start3A_120 = arith.constant 1 : i32
      %dma_start3A_121 = arith.constant 128 : i32
      %dma_start3A_122 = arith.constant 0 : i32
      %dma_start3A_123 = tpu.memref_slice %arg10[%dma_start3A_121, %dma_start3A_122] : memref<640x128xf32, #tpu.memory_space<vmem>> -> memref<128x128xf32, #tpu.memory_space<vmem>>
      %dma_start3A_124 = tpu.memref_slice %arg9[%mul3A_119] : memref<6400xi32, #tpu.memory_space<vmem>> -> memref<128xi32, #tpu.memory_space<vmem>>
      %dma_start3A_125 = arith.constant 0 : i32
      %dma_start3A_126 = arith.constant 0 : i32
      %dma_start3A_127 = tpu.memref_slice %arg3[%dma_start3A_125, %dma_start3A_126] : memref<100000x128xf32, #tpu.memory_space<hbm>> -> memref<100000x128xf32, #tpu.memory_space<hbm>>
      %dma_start3A_128 = tpu.memref_slice %arg11[%dma_start3A_120] : memref<5x!tpu.dma_semaphore, #tpu.memory_space<semaphore_mem>> -> memref<1x!tpu.dma_semaphore, #tpu.memory_space<semaphore_mem>>
      %dma_start3A_129 = tpu.memref_squeeze %dma_start3A_128 : memref<1x!tpu.dma_semaphore, #tpu.memory_space<semaphore_mem>> -> memref<!tpu.dma_semaphore, #tpu.memory_space<semaphore_mem>>
      tpu.enqueue_indirect_dma source(%dma_start3A_127 : memref<100000x128xf32, #tpu.memory_space<hbm>>) target(%dma_start3A_123 : memref<128x128xf32, #tpu.memory_space<vmem>>) offsets(%dma_start3A_124 : memref<128xi32, #tpu.memory_space<vmem>>) semaphore(%dma_start3A_129 : memref<!tpu.dma_semaphore, #tpu.memory_space<semaphore_mem>>)
      %gt3A_130 = arith.constant 0 : i32
      %gt3A_131 = arith.cmpi sgt, %scan3A_82, %gt3A_130 : i32
      %convert_element_type3A_132 = arith.extui %gt3A_131 : i1 to i32
      %cond3A_133 = arith.constant 0 : i32
      %cond3A_134 = arith.cmpi ne, %convert_element_type3A_132, %cond3A_133 : i32
      scf.if %cond3A_134 {
        %dma_wait3A_358 = arith.constant 2 : i32
        %dma_wait3A_359 = arith.constant 0 : i32
        %dma_wait3A_360 = arith.constant 0 : i32
        %dma_wait3A_361 = tpu.memref_slice %arg10[%dma_wait3A_359, %dma_wait3A_360] : memref<640x128xf32, #tpu.memory_space<vmem>> -> memref<128x128xf32, #tpu.memory_space<vmem>>
        %dma_wait3A_362 = arith.constant 0 : i32
        %dma_wait3A_363 = tpu.memref_slice %arg7[%mul3A_6, %dma_wait3A_362] : memref<204800x128xf32, #tpu.memory_space<hbm>> -> memref<128x128xf32, #tpu.memory_space<hbm>>
        %dma_wait3A_364 = tpu.memref_slice %arg12[%dma_wait3A_358] : memref<5x!tpu.dma_semaphore, #tpu.memory_space<semaphore_mem>> -> memref<1x!tpu.dma_semaphore, #tpu.memory_space<semaphore_mem>>
        %dma_wait3A_365 = tpu.memref_squeeze %dma_wait3A_364 : memref<1x!tpu.dma_semaphore, #tpu.memory_space<semaphore_mem>> -> memref<!tpu.dma_semaphore, #tpu.memory_space<semaphore_mem>>
        %dma_wait3A_366 = arith.constant 0 : i32
        %dma_wait3A_367 = tpu.memref_slice %arg7[%mul3A_6, %dma_wait3A_366] : memref<204800x128xf32, #tpu.memory_space<hbm>> -> memref<128x128xf32, #tpu.memory_space<hbm>>
        %dma_wait3A_368 = arith.constant 0 : i32
        %dma_wait3A_369 = arith.constant 0 : i32
        %dma_wait3A_370 = tpu.memref_slice %arg10[%dma_wait3A_368, %dma_wait3A_369] : memref<640x128xf32, #tpu.memory_space<vmem>> -> memref<128x128xf32, #tpu.memory_space<vmem>>
        tpu.wait_dma2 semaphore(%dma_wait3A_365 : memref<!tpu.dma_semaphore, #tpu.memory_space<semaphore_mem>>) src(%dma_wait3A_370 : memref<128x128xf32, #tpu.memory_space<vmem>>) dst(%dma_wait3A_367 : memref<128x128xf32, #tpu.memory_space<hbm>>)
      } else {
      }
      %eq3A_135 = arith.constant 0 : i32
      %eq3A_136 = arith.cmpi eq, %scan3A_82, %eq3A_135 : i32
      %convert_element_type3A_137 = arith.extui %eq3A_136 : i1 to i32
      %cond3A_138 = arith.constant 0 : i32
      %cond3A_139 = arith.cmpi ne, %convert_element_type3A_137, %cond3A_138 : i32
      scf.if %cond3A_139 {
        %dma_wait3A_358 = arith.constant 2 : i32
        %dma_wait3A_359 = arith.constant 0 : i32
        %dma_wait3A_360 = arith.constant 0 : i32
        %dma_wait3A_361 = tpu.memref_slice %arg10[%dma_wait3A_359, %dma_wait3A_360] : memref<640x128xf32, #tpu.memory_space<vmem>> -> memref<128x128xf32, #tpu.memory_space<vmem>>
        %dma_wait3A_362 = arith.constant 0 : i32
        %dma_wait3A_363 = tpu.memref_slice %arg6[%mul3A_6, %dma_wait3A_362] : memref<204800x128xf32, #tpu.memory_space<hbm>> -> memref<128x128xf32, #tpu.memory_space<hbm>>
        %dma_wait3A_364 = tpu.memref_slice %arg12[%dma_wait3A_358] : memref<5x!tpu.dma_semaphore, #tpu.memory_space<semaphore_mem>> -> memref<1x!tpu.dma_semaphore, #tpu.memory_space<semaphore_mem>>
        %dma_wait3A_365 = tpu.memref_squeeze %dma_wait3A_364 : memref<1x!tpu.dma_semaphore, #tpu.memory_space<semaphore_mem>> -> memref<!tpu.dma_semaphore, #tpu.memory_space<semaphore_mem>>
        %dma_wait3A_366 = arith.constant 0 : i32
        %dma_wait3A_367 = tpu.memref_slice %arg6[%mul3A_6, %dma_wait3A_366] : memref<204800x128xf32, #tpu.memory_space<hbm>> -> memref<128x128xf32, #tpu.memory_space<hbm>>
        %dma_wait3A_368 = arith.constant 0 : i32
        %dma_wait3A_369 = arith.constant 0 : i32
        %dma_wait3A_370 = tpu.memref_slice %arg10[%dma_wait3A_368, %dma_wait3A_369] : memref<640x128xf32, #tpu.memory_space<vmem>> -> memref<128x128xf32, #tpu.memory_space<vmem>>
        tpu.wait_dma2 semaphore(%dma_wait3A_365 : memref<!tpu.dma_semaphore, #tpu.memory_space<semaphore_mem>>) src(%dma_wait3A_370 : memref<128x128xf32, #tpu.memory_space<vmem>>) dst(%dma_wait3A_367 : memref<128x128xf32, #tpu.memory_space<hbm>>)
      } else {
      }
      %mul3A_140 = arith.constant 5 : i32
      %mul3A_141 = arith.muli %scan3A_82, %mul3A_140 : i32
      %add3A_142 = arith.constant 2 : i32
      %add3A_143 = arith.addi %mul3A_141, %add3A_142 : i32
      %mul3A_144 = arith.constant 128 : i32
      %mul3A_145 = arith.muli %add3A_143, %mul3A_144 : i32
      %dma_start3A_146 = arith.constant 2 : i32
      %dma_start3A_147 = arith.constant 256 : i32
      %dma_start3A_148 = arith.constant 0 : i32
      %dma_start3A_149 = tpu.memref_slice %arg10[%dma_start3A_147, %dma_start3A_148] : memref<640x128xf32, #tpu.memory_space<vmem>> -> memref<128x128xf32, #tpu.memory_space<vmem>>
      %dma_start3A_150 = tpu.memref_slice %arg9[%mul3A_145] : memref<6400xi32, #tpu.memory_space<vmem>> -> memref<128xi32, #tpu.memory_space<vmem>>
      %dma_start3A_151 = arith.constant 0 : i32
      %dma_start3A_152 = arith.constant 0 : i32
      %dma_start3A_153 = tpu.memref_slice %arg3[%dma_start3A_151, %dma_start3A_152] : memref<100000x128xf32, #tpu.memory_space<hbm>> -> memref<100000x128xf32, #tpu.memory_space<hbm>>
      %dma_start3A_154 = tpu.memref_slice %arg11[%dma_start3A_146] : memref<5x!tpu.dma_semaphore, #tpu.memory_space<semaphore_mem>> -> memref<1x!tpu.dma_semaphore, #tpu.memory_space<semaphore_mem>>
      %dma_start3A_155 = tpu.memref_squeeze %dma_start3A_154 : memref<1x!tpu.dma_semaphore, #tpu.memory_space<semaphore_mem>> -> memref<!tpu.dma_semaphore, #tpu.memory_space<semaphore_mem>>
      tpu.enqueue_indirect_dma source(%dma_start3A_153 : memref<100000x128xf32, #tpu.memory_space<hbm>>) target(%dma_start3A_149 : memref<128x128xf32, #tpu.memory_space<vmem>>) offsets(%dma_start3A_150 : memref<128xi32, #tpu.memory_space<vmem>>) semaphore(%dma_start3A_155 : memref<!tpu.dma_semaphore, #tpu.memory_space<semaphore_mem>>)
      %gt3A_156 = arith.constant 0 : i32
      %gt3A_157 = arith.cmpi sgt, %scan3A_82, %gt3A_156 : i32
      %convert_element_type3A_158 = arith.extui %gt3A_157 : i1 to i32
      %cond3A_159 = arith.constant 0 : i32
      %cond3A_160 = arith.cmpi ne, %convert_element_type3A_158, %cond3A_159 : i32
      scf.if %cond3A_160 {
        %dma_wait3A_358 = arith.constant 3 : i32
        %dma_wait3A_359 = arith.constant 0 : i32
        %dma_wait3A_360 = arith.constant 0 : i32
        %dma_wait3A_361 = tpu.memref_slice %arg10[%dma_wait3A_359, %dma_wait3A_360] : memref<640x128xf32, #tpu.memory_space<vmem>> -> memref<128x128xf32, #tpu.memory_space<vmem>>
        %dma_wait3A_362 = arith.constant 0 : i32
        %dma_wait3A_363 = tpu.memref_slice %arg7[%mul3A_6, %dma_wait3A_362] : memref<204800x128xf32, #tpu.memory_space<hbm>> -> memref<128x128xf32, #tpu.memory_space<hbm>>
        %dma_wait3A_364 = tpu.memref_slice %arg12[%dma_wait3A_358] : memref<5x!tpu.dma_semaphore, #tpu.memory_space<semaphore_mem>> -> memref<1x!tpu.dma_semaphore, #tpu.memory_space<semaphore_mem>>
        %dma_wait3A_365 = tpu.memref_squeeze %dma_wait3A_364 : memref<1x!tpu.dma_semaphore, #tpu.memory_space<semaphore_mem>> -> memref<!tpu.dma_semaphore, #tpu.memory_space<semaphore_mem>>
        %dma_wait3A_366 = arith.constant 0 : i32
        %dma_wait3A_367 = tpu.memref_slice %arg7[%mul3A_6, %dma_wait3A_366] : memref<204800x128xf32, #tpu.memory_space<hbm>> -> memref<128x128xf32, #tpu.memory_space<hbm>>
        %dma_wait3A_368 = arith.constant 0 : i32
        %dma_wait3A_369 = arith.constant 0 : i32
        %dma_wait3A_370 = tpu.memref_slice %arg10[%dma_wait3A_368, %dma_wait3A_369] : memref<640x128xf32, #tpu.memory_space<vmem>> -> memref<128x128xf32, #tpu.memory_space<vmem>>
        tpu.wait_dma2 semaphore(%dma_wait3A_365 : memref<!tpu.dma_semaphore, #tpu.memory_space<semaphore_mem>>) src(%dma_wait3A_370 : memref<128x128xf32, #tpu.memory_space<vmem>>) dst(%dma_wait3A_367 : memref<128x128xf32, #tpu.memory_space<hbm>>)
      } else {
      }
      %eq3A_161 = arith.constant 0 : i32
      %eq3A_162 = arith.cmpi eq, %scan3A_82, %eq3A_161 : i32
      %convert_element_type3A_163 = arith.extui %eq3A_162 : i1 to i32
      %cond3A_164 = arith.constant 0 : i32
      %cond3A_165 = arith.cmpi ne, %convert_element_type3A_163, %cond3A_164 : i32
      scf.if %cond3A_165 {
        %dma_wait3A_358 = arith.constant 3 : i32
        %dma_wait3A_359 = arith.constant 0 : i32
        %dma_wait3A_360 = arith.constant 0 : i32
        %dma_wait3A_361 = tpu.memref_slice %arg10[%dma_wait3A_359, %dma_wait3A_360] : memref<640x128xf32, #tpu.memory_space<vmem>> -> memref<128x128xf32, #tpu.memory_space<vmem>>
        %dma_wait3A_362 = arith.constant 0 : i32
        %dma_wait3A_363 = tpu.memref_slice %arg6[%mul3A_6, %dma_wait3A_362] : memref<204800x128xf32, #tpu.memory_space<hbm>> -> memref<128x128xf32, #tpu.memory_space<hbm>>
        %dma_wait3A_364 = tpu.memref_slice %arg12[%dma_wait3A_358] : memref<5x!tpu.dma_semaphore, #tpu.memory_space<semaphore_mem>> -> memref<1x!tpu.dma_semaphore, #tpu.memory_space<semaphore_mem>>
        %dma_wait3A_365 = tpu.memref_squeeze %dma_wait3A_364 : memref<1x!tpu.dma_semaphore, #tpu.memory_space<semaphore_mem>> -> memref<!tpu.dma_semaphore, #tpu.memory_space<semaphore_mem>>
        %dma_wait3A_366 = arith.constant 0 : i32
        %dma_wait3A_367 = tpu.memref_slice %arg6[%mul3A_6, %dma_wait3A_366] : memref<204800x128xf32, #tpu.memory_space<hbm>> -> memref<128x128xf32, #tpu.memory_space<hbm>>
        %dma_wait3A_368 = arith.constant 0 : i32
        %dma_wait3A_369 = arith.constant 0 : i32
        %dma_wait3A_370 = tpu.memref_slice %arg10[%dma_wait3A_368, %dma_wait3A_369] : memref<640x128xf32, #tpu.memory_space<vmem>> -> memref<128x128xf32, #tpu.memory_space<vmem>>
        tpu.wait_dma2 semaphore(%dma_wait3A_365 : memref<!tpu.dma_semaphore, #tpu.memory_space<semaphore_mem>>) src(%dma_wait3A_370 : memref<128x128xf32, #tpu.memory_space<vmem>>) dst(%dma_wait3A_367 : memref<128x128xf32, #tpu.memory_space<hbm>>)
      } else {
      }
      %mul3A_166 = arith.constant 5 : i32
      %mul3A_167 = arith.muli %scan3A_82, %mul3A_166 : i32
      %add3A_168 = arith.constant 3 : i32
      %add3A_169 = arith.addi %mul3A_167, %add3A_168 : i32
      %mul3A_170 = arith.constant 128 : i32
      %mul3A_171 = arith.muli %add3A_169, %mul3A_170 : i32
      %dma_start3A_172 = arith.constant 3 : i32
      %dma_start3A_173 = arith.constant 384 : i32
      %dma_start3A_174 = arith.constant 0 : i32
      %dma_start3A_175 = tpu.memref_slice %arg10[%dma_start3A_173, %dma_start3A_174] : memref<640x128xf32, #tpu.memory_space<vmem>> -> memref<128x128xf32, #tpu.memory_space<vmem>>
      %dma_start3A_176 = tpu.memref_slice %arg9[%mul3A_171] : memref<6400xi32, #tpu.memory_space<vmem>> -> memref<128xi32, #tpu.memory_space<vmem>>
      %dma_start3A_177 = arith.constant 0 : i32
      %dma_start3A_178 = arith.constant 0 : i32
      %dma_start3A_179 = tpu.memref_slice %arg3[%dma_start3A_177, %dma_start3A_178] : memref<100000x128xf32, #tpu.memory_space<hbm>> -> memref<100000x128xf32, #tpu.memory_space<hbm>>
      %dma_start3A_180 = tpu.memref_slice %arg11[%dma_start3A_172] : memref<5x!tpu.dma_semaphore, #tpu.memory_space<semaphore_mem>> -> memref<1x!tpu.dma_semaphore, #tpu.memory_space<semaphore_mem>>
      %dma_start3A_181 = tpu.memref_squeeze %dma_start3A_180 : memref<1x!tpu.dma_semaphore, #tpu.memory_space<semaphore_mem>> -> memref<!tpu.dma_semaphore, #tpu.memory_space<semaphore_mem>>
      tpu.enqueue_indirect_dma source(%dma_start3A_179 : memref<100000x128xf32, #tpu.memory_space<hbm>>) target(%dma_start3A_175 : memref<128x128xf32, #tpu.memory_space<vmem>>) offsets(%dma_start3A_176 : memref<128xi32, #tpu.memory_space<vmem>>) semaphore(%dma_start3A_181 : memref<!tpu.dma_semaphore, #tpu.memory_space<semaphore_mem>>)
      %gt3A_182 = arith.constant 0 : i32
      %gt3A_183 = arith.cmpi sgt, %scan3A_82, %gt3A_182 : i32
      %convert_element_type3A_184 = arith.extui %gt3A_183 : i1 to i32
      %cond3A_185 = arith.constant 0 : i32
      %cond3A_186 = arith.cmpi ne, %convert_element_type3A_184, %cond3A_185 : i32
      scf.if %cond3A_186 {
        %dma_wait3A_358 = arith.constant 4 : i32
        %dma_wait3A_359 = arith.constant 0 : i32
        %dma_wait3A_360 = arith.constant 0 : i32
        %dma_wait3A_361 = tpu.memref_slice %arg10[%dma_wait3A_359, %dma_wait3A_360] : memref<640x128xf32, #tpu.memory_space<vmem>> -> memref<128x128xf32, #tpu.memory_space<vmem>>
        %dma_wait3A_362 = arith.constant 0 : i32
        %dma_wait3A_363 = tpu.memref_slice %arg7[%mul3A_6, %dma_wait3A_362] : memref<204800x128xf32, #tpu.memory_space<hbm>> -> memref<128x128xf32, #tpu.memory_space<hbm>>
        %dma_wait3A_364 = tpu.memref_slice %arg12[%dma_wait3A_358] : memref<5x!tpu.dma_semaphore, #tpu.memory_space<semaphore_mem>> -> memref<1x!tpu.dma_semaphore, #tpu.memory_space<semaphore_mem>>
        %dma_wait3A_365 = tpu.memref_squeeze %dma_wait3A_364 : memref<1x!tpu.dma_semaphore, #tpu.memory_space<semaphore_mem>> -> memref<!tpu.dma_semaphore, #tpu.memory_space<semaphore_mem>>
        %dma_wait3A_366 = arith.constant 0 : i32
        %dma_wait3A_367 = tpu.memref_slice %arg7[%mul3A_6, %dma_wait3A_366] : memref<204800x128xf32, #tpu.memory_space<hbm>> -> memref<128x128xf32, #tpu.memory_space<hbm>>
        %dma_wait3A_368 = arith.constant 0 : i32
        %dma_wait3A_369 = arith.constant 0 : i32
        %dma_wait3A_370 = tpu.memref_slice %arg10[%dma_wait3A_368, %dma_wait3A_369] : memref<640x128xf32, #tpu.memory_space<vmem>> -> memref<128x128xf32, #tpu.memory_space<vmem>>
        tpu.wait_dma2 semaphore(%dma_wait3A_365 : memref<!tpu.dma_semaphore, #tpu.memory_space<semaphore_mem>>) src(%dma_wait3A_370 : memref<128x128xf32, #tpu.memory_space<vmem>>) dst(%dma_wait3A_367 : memref<128x128xf32, #tpu.memory_space<hbm>>)
      } else {
      }
      %eq3A_187 = arith.constant 0 : i32
      %eq3A_188 = arith.cmpi eq, %scan3A_82, %eq3A_187 : i32
      %convert_element_type3A_189 = arith.extui %eq3A_188 : i1 to i32
      %cond3A_190 = arith.constant 0 : i32
      %cond3A_191 = arith.cmpi ne, %convert_element_type3A_189, %cond3A_190 : i32
      scf.if %cond3A_191 {
        %dma_wait3A_358 = arith.constant 4 : i32
        %dma_wait3A_359 = arith.constant 0 : i32
        %dma_wait3A_360 = arith.constant 0 : i32
        %dma_wait3A_361 = tpu.memref_slice %arg10[%dma_wait3A_359, %dma_wait3A_360] : memref<640x128xf32, #tpu.memory_space<vmem>> -> memref<128x128xf32, #tpu.memory_space<vmem>>
        %dma_wait3A_362 = arith.constant 0 : i32
        %dma_wait3A_363 = tpu.memref_slice %arg6[%mul3A_6, %dma_wait3A_362] : memref<204800x128xf32, #tpu.memory_space<hbm>> -> memref<128x128xf32, #tpu.memory_space<hbm>>
        %dma_wait3A_364 = tpu.memref_slice %arg12[%dma_wait3A_358] : memref<5x!tpu.dma_semaphore, #tpu.memory_space<semaphore_mem>> -> memref<1x!tpu.dma_semaphore, #tpu.memory_space<semaphore_mem>>
        %dma_wait3A_365 = tpu.memref_squeeze %dma_wait3A_364 : memref<1x!tpu.dma_semaphore, #tpu.memory_space<semaphore_mem>> -> memref<!tpu.dma_semaphore, #tpu.memory_space<semaphore_mem>>
        %dma_wait3A_366 = arith.constant 0 : i32
        %dma_wait3A_367 = tpu.memref_slice %arg6[%mul3A_6, %dma_wait3A_366] : memref<204800x128xf32, #tpu.memory_space<hbm>> -> memref<128x128xf32, #tpu.memory_space<hbm>>
        %dma_wait3A_368 = arith.constant 0 : i32
        %dma_wait3A_369 = arith.constant 0 : i32
        %dma_wait3A_370 = tpu.memref_slice %arg10[%dma_wait3A_368, %dma_wait3A_369] : memref<640x128xf32, #tpu.memory_space<vmem>> -> memref<128x128xf32, #tpu.memory_space<vmem>>
        tpu.wait_dma2 semaphore(%dma_wait3A_365 : memref<!tpu.dma_semaphore, #tpu.memory_space<semaphore_mem>>) src(%dma_wait3A_370 : memref<128x128xf32, #tpu.memory_space<vmem>>) dst(%dma_wait3A_367 : memref<128x128xf32, #tpu.memory_space<hbm>>)
      } else {
      }
      %mul3A_192 = arith.constant 5 : i32
      %mul3A_193 = arith.muli %scan3A_82, %mul3A_192 : i32
      %add3A_194 = arith.constant 4 : i32
      %add3A_195 = arith.addi %mul3A_193, %add3A_194 : i32
      %mul3A_196 = arith.constant 128 : i32
      %mul3A_197 = arith.muli %add3A_195, %mul3A_196 : i32
      %dma_start3A_198 = arith.constant 4 : i32
      %dma_start3A_199 = arith.constant 512 : i32
      %dma_start3A_200 = arith.constant 0 : i32
      %dma_start3A_201 = tpu.memref_slice %arg10[%dma_start3A_199, %dma_start3A_200] : memref<640x128xf32, #tpu.memory_space<vmem>> -> memref<128x128xf32, #tpu.memory_space<vmem>>
      %dma_start3A_202 = tpu.memref_slice %arg9[%mul3A_197] : memref<6400xi32, #tpu.memory_space<vmem>> -> memref<128xi32, #tpu.memory_space<vmem>>
      %dma_start3A_203 = arith.constant 0 : i32
      %dma_start3A_204 = arith.constant 0 : i32
      %dma_start3A_205 = tpu.memref_slice %arg3[%dma_start3A_203, %dma_start3A_204] : memref<100000x128xf32, #tpu.memory_space<hbm>> -> memref<100000x128xf32, #tpu.memory_space<hbm>>
      %dma_start3A_206 = tpu.memref_slice %arg11[%dma_start3A_198] : memref<5x!tpu.dma_semaphore, #tpu.memory_space<semaphore_mem>> -> memref<1x!tpu.dma_semaphore, #tpu.memory_space<semaphore_mem>>
      %dma_start3A_207 = tpu.memref_squeeze %dma_start3A_206 : memref<1x!tpu.dma_semaphore, #tpu.memory_space<semaphore_mem>> -> memref<!tpu.dma_semaphore, #tpu.memory_space<semaphore_mem>>
      tpu.enqueue_indirect_dma source(%dma_start3A_205 : memref<100000x128xf32, #tpu.memory_space<hbm>>) target(%dma_start3A_201 : memref<128x128xf32, #tpu.memory_space<vmem>>) offsets(%dma_start3A_202 : memref<128xi32, #tpu.memory_space<vmem>>) semaphore(%dma_start3A_207 : memref<!tpu.dma_semaphore, #tpu.memory_space<semaphore_mem>>)
      %dma_wait3A_208 = arith.constant 0 : i32
      %dma_wait3A_209 = arith.constant 0 : i32
      %dma_wait3A_210 = arith.constant 0 : i32
      %dma_wait3A_211 = tpu.memref_slice %arg10[%dma_wait3A_209, %dma_wait3A_210] : memref<640x128xf32, #tpu.memory_space<vmem>> -> memref<128x128xf32, #tpu.memory_space<vmem>>
      %dma_wait3A_212 = tpu.memref_slice %arg9[%mul3A_94] : memref<6400xi32, #tpu.memory_space<vmem>> -> memref<128xi32, #tpu.memory_space<vmem>>
      %dma_wait3A_213 = arith.constant 0 : i32
      %dma_wait3A_214 = arith.constant 0 : i32
      %dma_wait3A_215 = tpu.memref_slice %arg3[%dma_wait3A_213, %dma_wait3A_214] : memref<100000x128xf32, #tpu.memory_space<hbm>> -> memref<100000x128xf32, #tpu.memory_space<hbm>>
      %dma_wait3A_216 = tpu.memref_slice %arg11[%dma_wait3A_208] : memref<5x!tpu.dma_semaphore, #tpu.memory_space<semaphore_mem>> -> memref<1x!tpu.dma_semaphore, #tpu.memory_space<semaphore_mem>>
      %dma_wait3A_217 = tpu.memref_squeeze %dma_wait3A_216 : memref<1x!tpu.dma_semaphore, #tpu.memory_space<semaphore_mem>> -> memref<!tpu.dma_semaphore, #tpu.memory_space<semaphore_mem>>
      tpu.wait_indirect_dma semaphore(%dma_wait3A_217 : memref<!tpu.dma_semaphore, #tpu.memory_space<semaphore_mem>>) src(%dma_wait3A_215 : memref<100000x128xf32, #tpu.memory_space<hbm>>) dst(%dma_wait3A_211 : memref<128x128xf32, #tpu.memory_space<vmem>>)
      %mul3A_218 = arith.constant 5 : i32
      %mul3A_219 = arith.muli %scan3A_82, %mul3A_218 : i32
      %add3A_220 = arith.constant 0 : i32
      %add3A_221 = arith.addi %mul3A_219, %add3A_220 : i32
      %mul3A_222 = arith.constant 128 : i32
      %mul3A_223 = arith.muli %add3A_221, %mul3A_222 : i32
      %add3A_224 = arith.addi %mul3A_6, %mul3A_223 : i32
      %dma_start3A_225 = arith.constant 0 : i32
      %dma_start3A_226 = arith.constant 0 : i32
      %dma_start3A_227 = arith.constant 0 : i32
      %dma_start3A_228 = tpu.memref_slice %arg10[%dma_start3A_226, %dma_start3A_227] : memref<640x128xf32, #tpu.memory_space<vmem>> -> memref<128x128xf32, #tpu.memory_space<vmem>>
      %dma_start3A_229 = arith.constant 0 : i32
      %dma_start3A_230 = tpu.memref_slice %arg7[%add3A_224, %dma_start3A_229] : memref<204800x128xf32, #tpu.memory_space<hbm>> -> memref<128x128xf32, #tpu.memory_space<hbm>>
      %dma_start3A_231 = tpu.memref_slice %arg12[%dma_start3A_225] : memref<5x!tpu.dma_semaphore, #tpu.memory_space<semaphore_mem>> -> memref<1x!tpu.dma_semaphore, #tpu.memory_space<semaphore_mem>>
      %dma_start3A_232 = tpu.memref_squeeze %dma_start3A_231 : memref<1x!tpu.dma_semaphore, #tpu.memory_space<semaphore_mem>> -> memref<!tpu.dma_semaphore, #tpu.memory_space<semaphore_mem>>
      %dma_start3A_233 = arith.constant 0 : i32
      %dma_start3A_234 = tpu.memref_slice %arg7[%add3A_224, %dma_start3A_233] : memref<204800x128xf32, #tpu.memory_space<hbm>> -> memref<128x128xf32, #tpu.memory_space<hbm>>
      %dma_start3A_235 = arith.constant 0 : i32
      %dma_start3A_236 = arith.constant 0 : i32
      %dma_start3A_237 = tpu.memref_slice %arg10[%dma_start3A_235, %dma_start3A_236] : memref<640x128xf32, #tpu.memory_space<vmem>> -> memref<128x128xf32, #tpu.memory_space<vmem>>
      tpu.enqueue_dma source(%dma_start3A_237 : memref<128x128xf32, #tpu.memory_space<vmem>>) target(%dma_start3A_234 : memref<128x128xf32, #tpu.memory_space<hbm>>) target_semaphore(%dma_start3A_232 : memref<!tpu.dma_semaphore, #tpu.memory_space<semaphore_mem>>)
      %dma_wait3A_238 = arith.constant 1 : i32
      %dma_wait3A_239 = arith.constant 128 : i32
      %dma_wait3A_240 = arith.constant 0 : i32
      %dma_wait3A_241 = tpu.memref_slice %arg10[%dma_wait3A_239, %dma_wait3A_240] : memref<640x128xf32, #tpu.memory_space<vmem>> -> memref<128x128xf32, #tpu.memory_space<vmem>>
      %dma_wait3A_242 = tpu.memref_slice %arg9[%mul3A_119] : memref<6400xi32, #tpu.memory_space<vmem>> -> memref<128xi32, #tpu.memory_space<vmem>>
      %dma_wait3A_243 = arith.constant 0 : i32
      %dma_wait3A_244 = arith.constant 0 : i32
      %dma_wait3A_245 = tpu.memref_slice %arg3[%dma_wait3A_243, %dma_wait3A_244] : memref<100000x128xf32, #tpu.memory_space<hbm>> -> memref<100000x128xf32, #tpu.memory_space<hbm>>
      %dma_wait3A_246 = tpu.memref_slice %arg11[%dma_wait3A_238] : memref<5x!tpu.dma_semaphore, #tpu.memory_space<semaphore_mem>> -> memref<1x!tpu.dma_semaphore, #tpu.memory_space<semaphore_mem>>
      %dma_wait3A_247 = tpu.memref_squeeze %dma_wait3A_246 : memref<1x!tpu.dma_semaphore, #tpu.memory_space<semaphore_mem>> -> memref<!tpu.dma_semaphore, #tpu.memory_space<semaphore_mem>>
      tpu.wait_indirect_dma semaphore(%dma_wait3A_247 : memref<!tpu.dma_semaphore, #tpu.memory_space<semaphore_mem>>) src(%dma_wait3A_245 : memref<100000x128xf32, #tpu.memory_space<hbm>>) dst(%dma_wait3A_241 : memref<128x128xf32, #tpu.memory_space<vmem>>)
      %mul3A_248 = arith.constant 5 : i32
      %mul3A_249 = arith.muli %scan3A_82, %mul3A_248 : i32
      %add3A_250 = arith.constant 1 : i32
      %add3A_251 = arith.addi %mul3A_249, %add3A_250 : i32
      %mul3A_252 = arith.constant 128 : i32
      %mul3A_253 = arith.muli %add3A_251, %mul3A_252 : i32
      %add3A_254 = arith.addi %mul3A_6, %mul3A_253 : i32
      %dma_start3A_255 = arith.constant 1 : i32
      %dma_start3A_256 = arith.constant 128 : i32
      %dma_start3A_257 = arith.constant 0 : i32
      %dma_start3A_258 = tpu.memref_slice %arg10[%dma_start3A_256, %dma_start3A_257] : memref<640x128xf32, #tpu.memory_space<vmem>> -> memref<128x128xf32, #tpu.memory_space<vmem>>
      %dma_start3A_259 = arith.constant 0 : i32
      %dma_start3A_260 = tpu.memref_slice %arg7[%add3A_254, %dma_start3A_259] : memref<204800x128xf32, #tpu.memory_space<hbm>> -> memref<128x128xf32, #tpu.memory_space<hbm>>
      %dma_start3A_261 = tpu.memref_slice %arg12[%dma_start3A_255] : memref<5x!tpu.dma_semaphore, #tpu.memory_space<semaphore_mem>> -> memref<1x!tpu.dma_semaphore, #tpu.memory_space<semaphore_mem>>
      %dma_start3A_262 = tpu.memref_squeeze %dma_start3A_261 : memref<1x!tpu.dma_semaphore, #tpu.memory_space<semaphore_mem>> -> memref<!tpu.dma_semaphore, #tpu.memory_space<semaphore_mem>>
      %dma_start3A_263 = arith.constant 0 : i32
      %dma_start3A_264 = tpu.memref_slice %arg7[%add3A_254, %dma_start3A_263] : memref<204800x128xf32, #tpu.memory_space<hbm>> -> memref<128x128xf32, #tpu.memory_space<hbm>>
      %dma_start3A_265 = arith.constant 128 : i32
      %dma_start3A_266 = arith.constant 0 : i32
      %dma_start3A_267 = tpu.memref_slice %arg10[%dma_start3A_265, %dma_start3A_266] : memref<640x128xf32, #tpu.memory_space<vmem>> -> memref<128x128xf32, #tpu.memory_space<vmem>>
      tpu.enqueue_dma source(%dma_start3A_267 : memref<128x128xf32, #tpu.memory_space<vmem>>) target(%dma_start3A_264 : memref<128x128xf32, #tpu.memory_space<hbm>>) target_semaphore(%dma_start3A_262 : memref<!tpu.dma_semaphore, #tpu.memory_space<semaphore_mem>>)
      %dma_wait3A_268 = arith.constant 2 : i32
      %dma_wait3A_269 = arith.constant 256 : i32
      %dma_wait3A_270 = arith.constant 0 : i32
      %dma_wait3A_271 = tpu.memref_slice %arg10[%dma_wait3A_269, %dma_wait3A_270] : memref<640x128xf32, #tpu.memory_space<vmem>> -> memref<128x128xf32, #tpu.memory_space<vmem>>
      %dma_wait3A_272 = tpu.memref_slice %arg9[%mul3A_145] : memref<6400xi32, #tpu.memory_space<vmem>> -> memref<128xi32, #tpu.memory_space<vmem>>
      %dma_wait3A_273 = arith.constant 0 : i32
      %dma_wait3A_274 = arith.constant 0 : i32
      %dma_wait3A_275 = tpu.memref_slice %arg3[%dma_wait3A_273, %dma_wait3A_274] : memref<100000x128xf32, #tpu.memory_space<hbm>> -> memref<100000x128xf32, #tpu.memory_space<hbm>>
      %dma_wait3A_276 = tpu.memref_slice %arg11[%dma_wait3A_268] : memref<5x!tpu.dma_semaphore, #tpu.memory_space<semaphore_mem>> -> memref<1x!tpu.dma_semaphore, #tpu.memory_space<semaphore_mem>>
      %dma_wait3A_277 = tpu.memref_squeeze %dma_wait3A_276 : memref<1x!tpu.dma_semaphore, #tpu.memory_space<semaphore_mem>> -> memref<!tpu.dma_semaphore, #tpu.memory_space<semaphore_mem>>
      tpu.wait_indirect_dma semaphore(%dma_wait3A_277 : memref<!tpu.dma_semaphore, #tpu.memory_space<semaphore_mem>>) src(%dma_wait3A_275 : memref<100000x128xf32, #tpu.memory_space<hbm>>) dst(%dma_wait3A_271 : memref<128x128xf32, #tpu.memory_space<vmem>>)
      %mul3A_278 = arith.constant 5 : i32
      %mul3A_279 = arith.muli %scan3A_82, %mul3A_278 : i32
      %add3A_280 = arith.constant 2 : i32
      %add3A_281 = arith.addi %mul3A_279, %add3A_280 : i32
      %mul3A_282 = arith.constant 128 : i32
      %mul3A_283 = arith.muli %add3A_281, %mul3A_282 : i32
      %add3A_284 = arith.addi %mul3A_6, %mul3A_283 : i32
      %dma_start3A_285 = arith.constant 2 : i32
      %dma_start3A_286 = arith.constant 256 : i32
      %dma_start3A_287 = arith.constant 0 : i32
      %dma_start3A_288 = tpu.memref_slice %arg10[%dma_start3A_286, %dma_start3A_287] : memref<640x128xf32, #tpu.memory_space<vmem>> -> memref<128x128xf32, #tpu.memory_space<vmem>>
      %dma_start3A_289 = arith.constant 0 : i32
      %dma_start3A_290 = tpu.memref_slice %arg7[%add3A_284, %dma_start3A_289] : memref<204800x128xf32, #tpu.memory_space<hbm>> -> memref<128x128xf32, #tpu.memory_space<hbm>>
      %dma_start3A_291 = tpu.memref_slice %arg12[%dma_start3A_285] : memref<5x!tpu.dma_semaphore, #tpu.memory_space<semaphore_mem>> -> memref<1x!tpu.dma_semaphore, #tpu.memory_space<semaphore_mem>>
      %dma_start3A_292 = tpu.memref_squeeze %dma_start3A_291 : memref<1x!tpu.dma_semaphore, #tpu.memory_space<semaphore_mem>> -> memref<!tpu.dma_semaphore, #tpu.memory_space<semaphore_mem>>
      %dma_start3A_293 = arith.constant 0 : i32
      %dma_start3A_294 = tpu.memref_slice %arg7[%add3A_284, %dma_start3A_293] : memref<204800x128xf32, #tpu.memory_space<hbm>> -> memref<128x128xf32, #tpu.memory_space<hbm>>
      %dma_start3A_295 = arith.constant 256 : i32
      %dma_start3A_296 = arith.constant 0 : i32
      %dma_start3A_297 = tpu.memref_slice %arg10[%dma_start3A_295, %dma_start3A_296] : memref<640x128xf32, #tpu.memory_space<vmem>> -> memref<128x128xf32, #tpu.memory_space<vmem>>
      tpu.enqueue_dma source(%dma_start3A_297 : memref<128x128xf32, #tpu.memory_space<vmem>>) target(%dma_start3A_294 : memref<128x128xf32, #tpu.memory_space<hbm>>) target_semaphore(%dma_start3A_292 : memref<!tpu.dma_semaphore, #tpu.memory_space<semaphore_mem>>)
      %dma_wait3A_298 = arith.constant 3 : i32
      %dma_wait3A_299 = arith.constant 384 : i32
      %dma_wait3A_300 = arith.constant 0 : i32
      %dma_wait3A_301 = tpu.memref_slice %arg10[%dma_wait3A_299, %dma_wait3A_300] : memref<640x128xf32, #tpu.memory_space<vmem>> -> memref<128x128xf32, #tpu.memory_space<vmem>>
      %dma_wait3A_302 = tpu.memref_slice %arg9[%mul3A_171] : memref<6400xi32, #tpu.memory_space<vmem>> -> memref<128xi32, #tpu.memory_space<vmem>>
      %dma_wait3A_303 = arith.constant 0 : i32
      %dma_wait3A_304 = arith.constant 0 : i32
      %dma_wait3A_305 = tpu.memref_slice %arg3[%dma_wait3A_303, %dma_wait3A_304] : memref<100000x128xf32, #tpu.memory_space<hbm>> -> memref<100000x128xf32, #tpu.memory_space<hbm>>
      %dma_wait3A_306 = tpu.memref_slice %arg11[%dma_wait3A_298] : memref<5x!tpu.dma_semaphore, #tpu.memory_space<semaphore_mem>> -> memref<1x!tpu.dma_semaphore, #tpu.memory_space<semaphore_mem>>
      %dma_wait3A_307 = tpu.memref_squeeze %dma_wait3A_306 : memref<1x!tpu.dma_semaphore, #tpu.memory_space<semaphore_mem>> -> memref<!tpu.dma_semaphore, #tpu.memory_space<semaphore_mem>>
      tpu.wait_indirect_dma semaphore(%dma_wait3A_307 : memref<!tpu.dma_semaphore, #tpu.memory_space<semaphore_mem>>) src(%dma_wait3A_305 : memref<100000x128xf32, #tpu.memory_space<hbm>>) dst(%dma_wait3A_301 : memref<128x128xf32, #tpu.memory_space<vmem>>)
      %mul3A_308 = arith.constant 5 : i32
      %mul3A_309 = arith.muli %scan3A_82, %mul3A_308 : i32
      %add3A_310 = arith.constant 3 : i32
      %add3A_311 = arith.addi %mul3A_309, %add3A_310 : i32
      %mul3A_312 = arith.constant 128 : i32
      %mul3A_313 = arith.muli %add3A_311, %mul3A_312 : i32
      %add3A_314 = arith.addi %mul3A_6, %mul3A_313 : i32
      %dma_start3A_315 = arith.constant 3 : i32
      %dma_start3A_316 = arith.constant 384 : i32
      %dma_start3A_317 = arith.constant 0 : i32
      %dma_start3A_318 = tpu.memref_slice %arg10[%dma_start3A_316, %dma_start3A_317] : memref<640x128xf32, #tpu.memory_space<vmem>> -> memref<128x128xf32, #tpu.memory_space<vmem>>
      %dma_start3A_319 = arith.constant 0 : i32
      %dma_start3A_320 = tpu.memref_slice %arg7[%add3A_314, %dma_start3A_319] : memref<204800x128xf32, #tpu.memory_space<hbm>> -> memref<128x128xf32, #tpu.memory_space<hbm>>
      %dma_start3A_321 = tpu.memref_slice %arg12[%dma_start3A_315] : memref<5x!tpu.dma_semaphore, #tpu.memory_space<semaphore_mem>> -> memref<1x!tpu.dma_semaphore, #tpu.memory_space<semaphore_mem>>
      %dma_start3A_322 = tpu.memref_squeeze %dma_start3A_321 : memref<1x!tpu.dma_semaphore, #tpu.memory_space<semaphore_mem>> -> memref<!tpu.dma_semaphore, #tpu.memory_space<semaphore_mem>>
      %dma_start3A_323 = arith.constant 0 : i32
      %dma_start3A_324 = tpu.memref_slice %arg7[%add3A_314, %dma_start3A_323] : memref<204800x128xf32, #tpu.memory_space<hbm>> -> memref<128x128xf32, #tpu.memory_space<hbm>>
      %dma_start3A_325 = arith.constant 384 : i32
      %dma_start3A_326 = arith.constant 0 : i32
      %dma_start3A_327 = tpu.memref_slice %arg10[%dma_start3A_325, %dma_start3A_326] : memref<640x128xf32, #tpu.memory_space<vmem>> -> memref<128x128xf32, #tpu.memory_space<vmem>>
      tpu.enqueue_dma source(%dma_start3A_327 : memref<128x128xf32, #tpu.memory_space<vmem>>) target(%dma_start3A_324 : memref<128x128xf32, #tpu.memory_space<hbm>>) target_semaphore(%dma_start3A_322 : memref<!tpu.dma_semaphore, #tpu.memory_space<semaphore_mem>>)
      %dma_wait3A_328 = arith.constant 4 : i32
      %dma_wait3A_329 = arith.constant 512 : i32
      %dma_wait3A_330 = arith.constant 0 : i32
      %dma_wait3A_331 = tpu.memref_slice %arg10[%dma_wait3A_329, %dma_wait3A_330] : memref<640x128xf32, #tpu.memory_space<vmem>> -> memref<128x128xf32, #tpu.memory_space<vmem>>
      %dma_wait3A_332 = tpu.memref_slice %arg9[%mul3A_197] : memref<6400xi32, #tpu.memory_space<vmem>> -> memref<128xi32, #tpu.memory_space<vmem>>
      %dma_wait3A_333 = arith.constant 0 : i32
      %dma_wait3A_334 = arith.constant 0 : i32
      %dma_wait3A_335 = tpu.memref_slice %arg3[%dma_wait3A_333, %dma_wait3A_334] : memref<100000x128xf32, #tpu.memory_space<hbm>> -> memref<100000x128xf32, #tpu.memory_space<hbm>>
      %dma_wait3A_336 = tpu.memref_slice %arg11[%dma_wait3A_328] : memref<5x!tpu.dma_semaphore, #tpu.memory_space<semaphore_mem>> -> memref<1x!tpu.dma_semaphore, #tpu.memory_space<semaphore_mem>>
      %dma_wait3A_337 = tpu.memref_squeeze %dma_wait3A_336 : memref<1x!tpu.dma_semaphore, #tpu.memory_space<semaphore_mem>> -> memref<!tpu.dma_semaphore, #tpu.memory_space<semaphore_mem>>
      tpu.wait_indirect_dma semaphore(%dma_wait3A_337 : memref<!tpu.dma_semaphore, #tpu.memory_space<semaphore_mem>>) src(%dma_wait3A_335 : memref<100000x128xf32, #tpu.memory_space<hbm>>) dst(%dma_wait3A_331 : memref<128x128xf32, #tpu.memory_space<vmem>>)
      %mul3A_338 = arith.constant 5 : i32
      %mul3A_339 = arith.muli %scan3A_82, %mul3A_338 : i32
      %add3A_340 = arith.constant 4 : i32
      %add3A_341 = arith.addi %mul3A_339, %add3A_340 : i32
      %mul3A_342 = arith.constant 128 : i32
      %mul3A_343 = arith.muli %add3A_341, %mul3A_342 : i32
      %add3A_344 = arith.addi %mul3A_6, %mul3A_343 : i32
      %dma_start3A_345 = arith.constant 4 : i32
      %dma_start3A_346 = arith.constant 512 : i32
      %dma_start3A_347 = arith.constant 0 : i32
      %dma_start3A_348 = tpu.memref_slice %arg10[%dma_start3A_346, %dma_start3A_347] : memref<640x128xf32, #tpu.memory_space<vmem>> -> memref<128x128xf32, #tpu.memory_space<vmem>>
      %dma_start3A_349 = arith.constant 0 : i32
      %dma_start3A_350 = tpu.memref_slice %arg7[%add3A_344, %dma_start3A_349] : memref<204800x128xf32, #tpu.memory_space<hbm>> -> memref<128x128xf32, #tpu.memory_space<hbm>>
      %dma_start3A_351 = tpu.memref_slice %arg12[%dma_start3A_345] : memref<5x!tpu.dma_semaphore, #tpu.memory_space<semaphore_mem>> -> memref<1x!tpu.dma_semaphore, #tpu.memory_space<semaphore_mem>>
      %dma_start3A_352 = tpu.memref_squeeze %dma_start3A_351 : memref<1x!tpu.dma_semaphore, #tpu.memory_space<semaphore_mem>> -> memref<!tpu.dma_semaphore, #tpu.memory_space<semaphore_mem>>
      %dma_start3A_353 = arith.constant 0 : i32
      %dma_start3A_354 = tpu.memref_slice %arg7[%add3A_344, %dma_start3A_353] : memref<204800x128xf32, #tpu.memory_space<hbm>> -> memref<128x128xf32, #tpu.memory_space<hbm>>
      %dma_start3A_355 = arith.constant 512 : i32
      %dma_start3A_356 = arith.constant 0 : i32
      %dma_start3A_357 = tpu.memref_slice %arg10[%dma_start3A_355, %dma_start3A_356] : memref<640x128xf32, #tpu.memory_space<vmem>> -> memref<128x128xf32, #tpu.memory_space<vmem>>
      tpu.enqueue_dma source(%dma_start3A_357 : memref<128x128xf32, #tpu.memory_space<vmem>>) target(%dma_start3A_354 : memref<128x128xf32, #tpu.memory_space<hbm>>) target_semaphore(%dma_start3A_352 : memref<!tpu.dma_semaphore, #tpu.memory_space<semaphore_mem>>)
    }
    %scan3A_17 = arith.constant 10 : i32
    %dma_wait3A = arith.constant 0 : i32
    %dma_wait3A_18 = arith.constant 0 : i32
    %dma_wait3A_19 = arith.constant 0 : i32
    %dma_wait3A_20 = tpu.memref_slice %arg10[%dma_wait3A_18, %dma_wait3A_19] : memref<640x128xf32, #tpu.memory_space<vmem>> -> memref<128x128xf32, #tpu.memory_space<vmem>>
    %dma_wait3A_21 = arith.constant 0 : i32
    %dma_wait3A_22 = tpu.memref_slice %arg7[%mul3A_6, %dma_wait3A_21] : memref<204800x128xf32, #tpu.memory_space<hbm>> -> memref<128x128xf32, #tpu.memory_space<hbm>>
    %dma_wait3A_23 = tpu.memref_slice %arg12[%dma_wait3A] : memref<5x!tpu.dma_semaphore, #tpu.memory_space<semaphore_mem>> -> memref<1x!tpu.dma_semaphore, #tpu.memory_space<semaphore_mem>>
    %dma_wait3A_24 = tpu.memref_squeeze %dma_wait3A_23 : memref<1x!tpu.dma_semaphore, #tpu.memory_space<semaphore_mem>> -> memref<!tpu.dma_semaphore, #tpu.memory_space<semaphore_mem>>
    %dma_wait3A_25 = arith.constant 0 : i32
    %dma_wait3A_26 = tpu.memref_slice %arg7[%mul3A_6, %dma_wait3A_25] : memref<204800x128xf32, #tpu.memory_space<hbm>> -> memref<128x128xf32, #tpu.memory_space<hbm>>
    %dma_wait3A_27 = arith.constant 0 : i32
    %dma_wait3A_28 = arith.constant 0 : i32
    %dma_wait3A_29 = tpu.memref_slice %arg10[%dma_wait3A_27, %dma_wait3A_28] : memref<640x128xf32, #tpu.memory_space<vmem>> -> memref<128x128xf32, #tpu.memory_space<vmem>>
    tpu.wait_dma2 semaphore(%dma_wait3A_24 : memref<!tpu.dma_semaphore, #tpu.memory_space<semaphore_mem>>) src(%dma_wait3A_29 : memref<128x128xf32, #tpu.memory_space<vmem>>) dst(%dma_wait3A_26 : memref<128x128xf32, #tpu.memory_space<hbm>>)
    %dma_wait3A_30 = arith.constant 1 : i32
    %dma_wait3A_31 = arith.constant 0 : i32
    %dma_wait3A_32 = arith.constant 0 : i32
    %dma_wait3A_33 = tpu.memref_slice %arg10[%dma_wait3A_31, %dma_wait3A_32] : memref<640x128xf32, #tpu.memory_space<vmem>> -> memref<128x128xf32, #tpu.memory_space<vmem>>
    %dma_wait3A_34 = arith.constant 0 : i32
    %dma_wait3A_35 = tpu.memref_slice %arg7[%mul3A_6, %dma_wait3A_34] : memref<204800x128xf32, #tpu.memory_space<hbm>> -> memref<128x128xf32, #tpu.memory_space<hbm>>
    %dma_wait3A_36 = tpu.memref_slice %arg12[%dma_wait3A_30] : memref<5x!tpu.dma_semaphore, #tpu.memory_space<semaphore_mem>> -> memref<1x!tpu.dma_semaphore, #tpu.memory_space<semaphore_mem>>
    %dma_wait3A_37 = tpu.memref_squeeze %dma_wait3A_36 : memref<1x!tpu.dma_semaphore, #tpu.memory_space<semaphore_mem>> -> memref<!tpu.dma_semaphore, #tpu.memory_space<semaphore_mem>>
    %dma_wait3A_38 = arith.constant 0 : i32
    %dma_wait3A_39 = tpu.memref_slice %arg7[%mul3A_6, %dma_wait3A_38] : memref<204800x128xf32, #tpu.memory_space<hbm>> -> memref<128x128xf32, #tpu.memory_space<hbm>>
    %dma_wait3A_40 = arith.constant 0 : i32
    %dma_wait3A_41 = arith.constant 0 : i32
    %dma_wait3A_42 = tpu.memref_slice %arg10[%dma_wait3A_40, %dma_wait3A_41] : memref<640x128xf32, #tpu.memory_space<vmem>> -> memref<128x128xf32, #tpu.memory_space<vmem>>
    tpu.wait_dma2 semaphore(%dma_wait3A_37 : memref<!tpu.dma_semaphore, #tpu.memory_space<semaphore_mem>>) src(%dma_wait3A_42 : memref<128x128xf32, #tpu.memory_space<vmem>>) dst(%dma_wait3A_39 : memref<128x128xf32, #tpu.memory_space<hbm>>)
    %dma_wait3A_43 = arith.constant 2 : i32
    %dma_wait3A_44 = arith.constant 0 : i32
    %dma_wait3A_45 = arith.constant 0 : i32
    %dma_wait3A_46 = tpu.memref_slice %arg10[%dma_wait3A_44, %dma_wait3A_45] : memref<640x128xf32, #tpu.memory_space<vmem>> -> memref<128x128xf32, #tpu.memory_space<vmem>>
    %dma_wait3A_47 = arith.constant 0 : i32
    %dma_wait3A_48 = tpu.memref_slice %arg7[%mul3A_6, %dma_wait3A_47] : memref<204800x128xf32, #tpu.memory_space<hbm>> -> memref<128x128xf32, #tpu.memory_space<hbm>>
    %dma_wait3A_49 = tpu.memref_slice %arg12[%dma_wait3A_43] : memref<5x!tpu.dma_semaphore, #tpu.memory_space<semaphore_mem>> -> memref<1x!tpu.dma_semaphore, #tpu.memory_space<semaphore_mem>>
    %dma_wait3A_50 = tpu.memref_squeeze %dma_wait3A_49 : memref<1x!tpu.dma_semaphore, #tpu.memory_space<semaphore_mem>> -> memref<!tpu.dma_semaphore, #tpu.memory_space<semaphore_mem>>
    %dma_wait3A_51 = arith.constant 0 : i32
    %dma_wait3A_52 = tpu.memref_slice %arg7[%mul3A_6, %dma_wait3A_51] : memref<204800x128xf32, #tpu.memory_space<hbm>> -> memref<128x128xf32, #tpu.memory_space<hbm>>
    %dma_wait3A_53 = arith.constant 0 : i32
    %dma_wait3A_54 = arith.constant 0 : i32
    %dma_wait3A_55 = tpu.memref_slice %arg10[%dma_wait3A_53, %dma_wait3A_54] : memref<640x128xf32, #tpu.memory_space<vmem>> -> memref<128x128xf32, #tpu.memory_space<vmem>>
    tpu.wait_dma2 semaphore(%dma_wait3A_50 : memref<!tpu.dma_semaphore, #tpu.memory_space<semaphore_mem>>) src(%dma_wait3A_55 : memref<128x128xf32, #tpu.memory_space<vmem>>) dst(%dma_wait3A_52 : memref<128x128xf32, #tpu.memory_space<hbm>>)
    %dma_wait3A_56 = arith.constant 3 : i32
    %dma_wait3A_57 = arith.constant 0 : i32
    %dma_wait3A_58 = arith.constant 0 : i32
    %dma_wait3A_59 = tpu.memref_slice %arg10[%dma_wait3A_57, %dma_wait3A_58] : memref<640x128xf32, #tpu.memory_space<vmem>> -> memref<128x128xf32, #tpu.memory_space<vmem>>
    %dma_wait3A_60 = arith.constant 0 : i32
    %dma_wait3A_61 = tpu.memref_slice %arg7[%mul3A_6, %dma_wait3A_60] : memref<204800x128xf32, #tpu.memory_space<hbm>> -> memref<128x128xf32, #tpu.memory_space<hbm>>
    %dma_wait3A_62 = tpu.memref_slice %arg12[%dma_wait3A_56] : memref<5x!tpu.dma_semaphore, #tpu.memory_space<semaphore_mem>> -> memref<1x!tpu.dma_semaphore, #tpu.memory_space<semaphore_mem>>
    %dma_wait3A_63 = tpu.memref_squeeze %dma_wait3A_62 : memref<1x!tpu.dma_semaphore, #tpu.memory_space<semaphore_mem>> -> memref<!tpu.dma_semaphore, #tpu.memory_space<semaphore_mem>>
    %dma_wait3A_64 = arith.constant 0 : i32
    %dma_wait3A_65 = tpu.memref_slice %arg7[%mul3A_6, %dma_wait3A_64] : memref<204800x128xf32, #tpu.memory_space<hbm>> -> memref<128x128xf32, #tpu.memory_space<hbm>>
    %dma_wait3A_66 = arith.constant 0 : i32
    %dma_wait3A_67 = arith.constant 0 : i32
    %dma_wait3A_68 = tpu.memref_slice %arg10[%dma_wait3A_66, %dma_wait3A_67] : memref<640x128xf32, #tpu.memory_space<vmem>> -> memref<128x128xf32, #tpu.memory_space<vmem>>
    tpu.wait_dma2 semaphore(%dma_wait3A_63 : memref<!tpu.dma_semaphore, #tpu.memory_space<semaphore_mem>>) src(%dma_wait3A_68 : memref<128x128xf32, #tpu.memory_space<vmem>>) dst(%dma_wait3A_65 : memref<128x128xf32, #tpu.memory_space<hbm>>)
    %dma_wait3A_69 = arith.constant 4 : i32
    %dma_wait3A_70 = arith.constant 0 : i32
    %dma_wait3A_71 = arith.constant 0 : i32
    %dma_wait3A_72 = tpu.memref_slice %arg10[%dma_wait3A_70, %dma_wait3A_71] : memref<640x128xf32, #tpu.memory_space<vmem>> -> memref<128x128xf32, #tpu.memory_space<vmem>>
    %dma_wait3A_73 = arith.constant 0 : i32
    %dma_wait3A_74 = tpu.memref_slice %arg7[%mul3A_6, %dma_wait3A_73] : memref<204800x128xf32, #tpu.memory_space<hbm>> -> memref<128x128xf32, #tpu.memory_space<hbm>>
    %dma_wait3A_75 = tpu.memref_slice %arg12[%dma_wait3A_69] : memref<5x!tpu.dma_semaphore, #tpu.memory_space<semaphore_mem>> -> memref<1x!tpu.dma_semaphore, #tpu.memory_space<semaphore_mem>>
    %dma_wait3A_76 = tpu.memref_squeeze %dma_wait3A_75 : memref<1x!tpu.dma_semaphore, #tpu.memory_space<semaphore_mem>> -> memref<!tpu.dma_semaphore, #tpu.memory_space<semaphore_mem>>
    %dma_wait3A_77 = arith.constant 0 : i32
    %dma_wait3A_78 = tpu.memref_slice %arg7[%mul3A_6, %dma_wait3A_77] : memref<204800x128xf32, #tpu.memory_space<hbm>> -> memref<128x128xf32, #tpu.memory_space<hbm>>
    %dma_wait3A_79 = arith.constant 0 : i32
    %dma_wait3A_80 = arith.constant 0 : i32
    %dma_wait3A_81 = tpu.memref_slice %arg10[%dma_wait3A_79, %dma_wait3A_80] : memref<640x128xf32, #tpu.memory_space<vmem>> -> memref<128x128xf32, #tpu.memory_space<vmem>>
    tpu.wait_dma2 semaphore(%dma_wait3A_76 : memref<!tpu.dma_semaphore, #tpu.memory_space<semaphore_mem>>) src(%dma_wait3A_81 : memref<128x128xf32, #tpu.memory_space<vmem>>) dst(%dma_wait3A_78 : memref<128x128xf32, #tpu.memory_space<hbm>>)
    return
  }
}

</mosaic_0001>

<sc_bundles>
// kernel: kernel.3.cloned.1.call-start
scs
__scs_entry_jumppad:
0x0: {  	(pc) =	sbr.rel $0x88, $3  }
0x1: {  	(tag) =	ssettag $0x0;
	lr =	simm.s32 $0x1  }
0x2: {  	[smem:$0x3F9D] =	sst lr;
	_ =	strace $0xD0000000  }
0x3: {  	_ = 	snop  }
0x4: {  	_ = 	snop  }
0x5: {  	_ = 	snop  }
0x6: {  	_ = 	snop  }
0x7: {  	_ = 	snop  }
__scs_overlays_trampoline_lowered:
0x8: {  	[smem:$0x3FAC] =	sst s0  }
0x9: {  	[smem:$0x3FAD] =	sst s1  }
0xa: {  	[smem:$0x3FAE] =	sst s2  }
0xb: {  	[smem:$0x3FAF] =	sst s3  }
0xc: {  	[smem:$0x3FB0] =	sst s4  }
0xd: {  	[smem:$0x3FB1] =	sst s5  }
0xe: {  	[smem:$0x3FB2] =	sst s6  }
0xf: {  	[smem:$0x3FB3] =	sst s7  }
0x10: {  	[smem:$0x3FB4] =	sst s8  }
0x11: {  	[smem:$0x3FB5] =	sst s9;
	s0 =	simm.s32 @!p0 $0x0  }
0x12: {  	s1 =	sld [smem:$0x3F9B];
	s0 =	simm.s32 @p0 $0x1  }
0x13: {  	[smem:$0x3FB6] =	sst s0;
	s0 =	simm.s32 @!p1 $0x0  }
0x14: {  	s2 =	sld [smem:$0x3F9A];
	s0 =	simm.s32 @p1 $0x1  }
0x15: {  	[smem:$0x3FB7] =	sst s0;
	s0 =	simm.s32 @!p2 $0x0  }
0x16: {  	s3 =	sld [smem:$0x3FDB];
	s0 =	simm.s32 @p2 $0x1  }
0x17: {  	s4 =	simm.s32 $0x1BF5;
	[smem:$0x3FB9] =	sst s0  }
0x18: {  	s0 =	sld [smem:$0x3F9C];
	_ =	swait.ge [sflag:s4], $0x0  }
0x19: {  	s7 =	sld [smem:$0x3F9D]  }
0x1a: {  	s8 =	sadd.s32 $0xFFFFE003, lr  }
0x1b: {  	s9 =	sadd.s32 $0xFFFFFEF7, lr;
	s5 =	simm.s32 $0xFFFFFFFF;
	p2 =	slt.u32 s8, $0xFFFFF086  }
0x1c: {  	p1 =	slt.u32 s9, $0xF7A;
	s5 =	simm.s32 @!p2 $0x0  }
0x1d: {  	s5 =	simm.s32 @p1 $0x1;
	p0 =	seq.s32 s7, s2  }
0x1e: {  	s7 =	smul.u32 @!p0 $0xF7A, s2;
	p2 =	seq.s32 @!p0 s5, $0x0  }
0x1f: {  	s9 =	smul.u32 $0xF7A, s1;
	s8 =	simm.s32 @!p0 $0x1BF5;
	p2 =	por !p2, p0  }
0x20: {  	[sflag:s8] =	ssyncset.s32 @!p0 $0xFFFFF086;
	s6 =	sadd.s32 @!p0 s3, s7;
	s7 =	simm.s32 @!p0 $0x108  }
0x21: {  	s3 =	sadd.s32 s3, s9;
	s6 =	sadd.s32 @!p0 $0x88, s6;
	s7 =	simm.s32 @p2 $0x1082  }
0x22: {  	[simem:s7], [sflag:s8] =	dma.local @!p0 [hbm:s6], $0xF7A  }
0x23: {  	s9 =	sor.u32 $0xD0000000, s2;
	s6 =	simm.s32 $0x108;
	_ =	swait.ge @!p0 [sflag:s8], $0x0  }
0x24: {  	s3 =	sadd.s32 $0x88, s3;
	s6 =	simm.s32 @!p1 $0x1082;
	[sflag:s4] =	ssyncset.s32 $0xFFFFF086  }
0x25: {  	[simem:s6], [sflag:s4] =	dma.local [hbm:s3], $0xF7A  }
0x26: {  	[smem:$0x3F9D] =	sst s1;
	(tag) =	ssettag s2;
	_ =	strace s9  }
0x27: {  	s1 =	sld [smem:$0x3FAD]  }
0x28: {  	s2 =	sld [smem:$0x3FAE]  }
0x29: {  	s4 =	sld [smem:$0x3FB0]  }
0x2a: {  	p0 =	seq.s32 s5, $0x0;
	s5 =	sld [smem:$0x3FB1]  }
0x2b: {  	s6 =	sld [smem:$0x3FB2]  }
0x2c: {  	s7 =	sld [smem:$0x3FB3]  }
0x2d: {  	s3 =	simm.s32 $0x108;
	s8 =	sld [smem:$0x3FB4]  }
0x2e: {  	s3 =	simm.s32 @!p0 $0x1082;
	s9 =	sld [smem:$0x3FB5]  }
0x2f: {  	lr =	sadd.s32 s0, s3;
	s0 =	sld [smem:$0x3FAC]  }
0x30: {  	s3 =	sld [smem:$0x3FAF]  }
0x31: {  	[smem:$0x3FB8] =	sst s10  }
0x32: {  	s10 =	sld [smem:$0x3FB6];
	_ =	sdelay $0x3  }
0x33: {  	p0 =	seq.s32 s10, $0x1;
	s10 =	sld [smem:$0x3FB8];
	_ =	sdelay $0x3  }
0x34: {  	[smem:$0x3FB8] =	sst s10  }
0x35: {  	s10 =	sld [smem:$0x3FB7];
	_ =	sdelay $0x3  }
0x36: {  	p1 =	seq.s32 s10, $0x1;
	s10 =	sld [smem:$0x3FB8];
	_ =	sdelay $0x3  }
0x37: {  	[smem:$0x3FB8] =	sst s10  }
0x38: {  	s10 =	sld [smem:$0x3FB9]  }
0x39: {  	_ = 	snop;
	(pc) =	sbr.ind lr, $3  }
0x3a: {  	_ = 	snop  }
0x3b: {  	_ = 	snop  }
0x3c: {  	p2 =	seq.s32 s10, $0x1;
	s10 =	sld [smem:$0x3FB8]  }
0x3d: {  	_ =	shalt  }
0x3e: {  	_ =	shalt  }
0x3f: {  	_ =	shalt  }
0x40: {  	_ =	shalt  }
0x41: {  	_ =	shalt  }
0x42: {  	_ =	shalt  }
0x43: {  	_ =	shalt  }
0x44: {  	_ =	shalt  }
0x45: {  	_ =	shalt  }
0x46: {  	_ =	shalt  }
0x47: {  	_ =	shalt  }
0x48: {  	_ =	shalt  }
0x49: {  	_ =	shalt  }
0x4a: {  	_ =	shalt  }
0x4b: {  	_ =	shalt  }
0x4c: {  	_ =	shalt  }
0x4d: {  	_ =	shalt  }
0x4e: {  	_ =	shalt  }
0x4f: {  	_ =	shalt  }
0x50: {  	_ =	shalt  }
0x51: {  	_ =	shalt  }
0x52: {  	_ =	shalt  }
0x53: {  	_ =	shalt  }
0x54: {  	_ =	shalt  }
0x55: {  	_ =	shalt  }
0x56: {  	_ =	shalt  }
0x57: {  	_ =	shalt  }
0x58: {  	_ =	shalt  }
0x59: {  	_ =	shalt  }
0x5a: {  	_ =	shalt  }
0x5b: {  	_ =	shalt  }
0x5c: {  	_ =	shalt  }
0x5d: {  	_ =	shalt  }
0x5e: {  	_ =	shalt  }
0x5f: {  	_ =	shalt  }
0x60: {  	_ =	shalt  }
0x61: {  	_ =	shalt  }
0x62: {  	_ =	shalt  }
0x63: {  	_ =	shalt  }
0x64: {  	_ =	shalt  }
0x65: {  	_ =	shalt  }
0x66: {  	_ =	shalt  }
0x67: {  	_ =	shalt  }
0x68: {  	_ =	shalt  }
0x69: {  	_ =	shalt  }
0x6a: {  	_ =	shalt  }
0x6b: {  	_ =	shalt  }
0x6c: {  	_ =	shalt  }
0x6d: {  	_ =	shalt  }
0x6e: {  	_ =	shalt  }
0x6f: {  	_ =	shalt  }
0x70: {  	_ =	shalt  }
0x71: {  	_ =	shalt  }
0x72: {  	_ =	shalt  }
0x73: {  	_ =	shalt  }
0x74: {  	_ =	shalt  }
0x75: {  	_ =	shalt  }
0x76: {  	_ =	shalt  }
0x77: {  	_ =	shalt  }
0x78: {  	_ =	shalt  }
0x79: {  	_ =	shalt  }
0x7a: {  	_ =	shalt  }
0x7b: {  	_ =	shalt  }
0x7c: {  	_ =	shalt  }
0x7d: {  	_ =	shalt  }
0x7e: {  	_ =	shalt  }
0x7f: {  	_ =	shalt  }
0x80: {  	_ =	shalt  }
0x81: {  	_ =	shalt  }
0x82: {  	_ =	shalt  }
0x83: {  	_ =	shalt  }
0x84: {  	_ =	shalt  }
0x85: {  	_ =	shalt  }
0x86: {  	_ =	shalt  }
0x87: {  	_ =	shalt  }
.Lfunc_end0:
.L_simem_size_0:
called_computation_lowered:
.L_overlay_start_0:
0x88: {  	s2 =	sld [smem:$0x3FD9]  }
0x89: {  	s3 =	sld [smem:$0x3FFE];
	_ =	sdelay $0x1  }
0x8a: {  	s1 =	srdreg.scid  }
0x8b: {  	s0 =	sand.u32 $0x1, s1  }
0x8c: {  	s14 =	sshll.u32 s0, $0xA;
	s2 =	sadd.s32 s3, s2  }
0x8d: {  	s2 =	sadd.s32 s2, s14  }
0x8e: {  	[smem:$0x3FC4] =	sst s2  }
0x8f: {  	_ = 	snop  }
0x90: {  	s2 =	sld [smem:$0x3FD0];
	_ =	sdelay $0x1  }
0x91: {  	s15 =	sld [smem:$0x3FC9]  }
0x92: {  	s5 =	simm.s32 $0xA;
	s6 =	simm.s32 $0x10;
	s4 =	sld [smem:$0x3FC8]  }
0x93: {  	[smem:s6], [sflag:s5] =	dma.local [hbm:s2], $0x1  }
0x94: {  	_ =	swait.eq [sflag:s5], $0x1  }
0x95: {  	[sflag:s5] =	ssyncset.done $0x0  }
0x96: {  	s16 =	sld [smem:$0x10];
	[sflag:s5] =	ssyncadd.s32 $0xFFFFFFFF  }
0x97: {  	s17 =	sld [smem:$0x11];
	(tm) =	ssettm $0x1  }
0x98: {  	s18 =	sld [smem:$0x3FFB];
	_ =	sdelay $0x3  }
0x99: {  	_ =	strace s18  }
0x9a: {  	s6 =	sld [smem:$0x3FFC];
	_ =	sdelay $0x3  }
0x9b: {  	_ =	strace s6  }
0x9c: {  	s6 =	sld [smem:$0x3FFD];
	_ =	sdelay $0x3  }
0x9d: {  	_ =	strace s6  }
0x9e: {  	_ =	strace $0x8FFFFFFF  }
0x9f: {  	s19 =	sld [smem:$0x3FDB];
	_ =	sdelay $0x1  }
0xa0: {  	s7 =	simm.s32 $_scs_section_size  }
0xa1: {  	s8 =	simm.s32 $_size__tile_overlayer_lowered;
	s9 =	simm.s32 $_tile_overlayer_lowered  }
0xa2: {  	s22 =	simm.s32 $0x1BFF;
	s21 =	sshll.u32 s9, $0x1;
	s6 =	sadd.s32 s7, s19  }
0xa3: {  	s10 =	simm.s32 $0x0;
	s20 =	sshll.u32 s8, $0x1;
	s8 =	sadd.s32 s21, s6  }
0xa4: {  	[timem:s10], [sflag:s22] =	dma.local [hbm:s8], s20  }
0xa5: {  	_ =	swait.ge [sflag:s22], s20  }
0xa6: {  	s7 =	ssub.s32 $0x0, s20;
	[sflag:s22] =	ssyncset.done $0x0  }
0xa7: {  	[sflag:s22] =	ssyncadd.s32 s7;
	_ =	sdelay $0x1  }
0xa8: {  	s23 =	simm.s32 $0x1B8B  }
0xa9: {  	_ =	swait.ge [sflag:s23], $0x1  }
0xaa: {  	[sflag:s23] =	ssyncset.done $0x0  }
0xab: {  	s25 =	simm.s32 $0x1B8E;
	s24 =	sld [smem:$0x3FFE];
	[sflag:s23] =	ssyncadd.s32 $0xFFFFFFFF  }
0xac: {  	s26 =	simm.s32 $execute0_lowered;
	[smem:$0x3FD2] =	sst s25  }
0xad: {  	s8 =	sshll.u32 s26, $0x1;
	_ =	strace $0x80000046;
	[dreg:$0x1] =	wrdreg $0xFFFFFFFF  }
0xae: {  	s28 =	simm.s32 $_size_execute0_lowered;
	s6 =	sadd.s32 s6, s8;
	[dreg:$0x0] =	wrdreg $0x0  }
0xaf: {  	s8 =	sshll.u32 s28, $0x1;
	[dreg:$0x2] =	wrdreg s6  }
0xb0: {  	[dreg:$0x3] =	wrdreg s8  }
0xb1: {  	[dreg:$0x4] =	wrdreg $0xC0  }
0xb2: {  	_ =	task [dreg:s10], $0x5FFFF  }
0xb3: {  	[dreg:$0x1] =	wrdreg $0xFFFFFFFF  }
0xb4: {  	[dreg:$0x0] =	wrdreg $0x60  }
0xb5: {  	[dreg:$0x2] =	wrdreg s15  }
0xb6: {  	[dreg:$0x3] =	wrdreg s4  }
0xb7: {  	[dreg:$0x4] =	wrdreg s24  }
0xb8: {  	[dreg:$0x5] =	wrdreg s16  }
0xb9: {  	[dreg:$0x6] =	wrdreg s17  }
0xba: {  	[dreg:$0x7] =	wrdreg $0x9  }
0xbb: {  	_ =	task.clear_ibuf [dreg:s10], $0x8FFFF;
	_ =	strace $0x90000046  }
0xbc: {  	s29 =	simm.s32 $0x9;
	_ =	strace $0x80000048  }
0xbd: {  	_ =	swait.ge [sflag:s29], $0x1  }
0xbe: {  	[sflag:s29] =	ssyncadd.s32 $0xFFFFFFFF  }
0xbf: {  	_ =	strace $0x90000048  }
0xc0: {  	_ =	sfence  }
0xc1: {  	s30 =	sld [smem:$0x0];
	_ =	sdelay $0x2  }
0xc2: {  	s31 =	sshll.u32 s1, $0xD;
	s1 =	sshrl.u32 s1, $0x2  }
0xc3: {  	s3 =	sand.u32 $0x4000, s31;
	s1 =	sadd.s32 s1, s30  }
0xc4: {  	s0 =	sor.u32 s3, s0;
	s1 =	sshll.u32 s1, $0x11  }
0xc5: {  	s0 =	sor.u32 s1, s0  }
0xc6: {  	s0 =	sadd.s32 $0x8F2B, s0  }
0xc7: {  	[sflag:s0] =	ssyncadd.remote.s32 $0x1  }
0xc8: {  	_ =	sfence.sel $0xFFFF  }
0xc9: {  	[dreg:$0x0] =	wrdreg $0xFFFFFFFF;
	(pc) =	sbr.abs _section_cstart, $3  }
0xca: {  	[dreg:$0x1] =	wrdreg $0xFFFFFFFF  }
0xcb: {  	_ =	task.clear_ibuf [dreg:s10], $0x2FFFF;
	_ =	strace $0x9FFFFFFF  }
0xcc: {  	(tm) =	ssettm $0x7FFFFFFF  }
0xcd: {  	_ =	shalt  }
tec
execute0_lowered:
.L_overlay_start_1:
0x0: {  	(tag) =	ssettag $0x1  }
0x1: {  	s1 =	rddreg [dreg:$0x0]  }
0x2: {  	s2 =	rddreg [dreg:$0x1]  }
0x3: {  	s0 =	srdreg.scid;
	s4 =	stileid.u32  }
0x4: {  	s3 =	rddreg [dreg:$0x2];
	s7 =	simm.s32 $0x0;
	s13 =	simm.s32 $0x80  }
0x5: {  	s14 =	simm.s32 $0x13200;
	s15 =	simm.s32 $0x1;
	s30 =	simm.s32 $0x3200  }
0x6: {  	s17 =	simm.s32 $0x2;
	s0 =	sand.u32 $0x1, s0;
	s5 =	sshll.u32 s4, $0x1  }
0x7: {  	s19 =	simm.s32 $0x3;
	s20 =	simm.s32 $0xB200;
	s6 =	sor.u32 s0, s5  }
0x8: {  	s21 =	simm.s32 $0x4;
	s0 =	ssub.s32 $0x2, s0;
	s6 =	smul.u32 $0x1900, s6  }
0x9: {  	s24 =	simm.s32 $0xF200;
	s4 =	rddreg [dreg:$0x3];
	s29 =	sshrl.u32 s0, $0x1  }
0xa: {  	[smem:$0x7FF] =	sst s7;
	s0 =	ssub.s32 s0, s29;
	s8 =	sshrl.u32 s6, $0x3  }
0xb: {  	s5 =	rddreg [dreg:$0x4];
	s0 =	smax.u32 s0, $0x1;
	s3 =	sadd.s32 s8, s3  }
0xc: {  	_ =	strace $0x80000047;
	[dreg:$0x8] =	wrdreg s0;
	s31 =	sadd.s32 $0x800, s3  }
0xd: {  	s23 =	simm.s32 $0x5;
	s3 =	sadd.s32 $0x6C00, s3;
	[dreg:$0x6] =	wrdreg s31  }
0xe: {  	s25 =	simm.s32 $0xA;
	[dreg:$0x7] =	wrdreg s3;
	s3 =	simm.s32 $0x0  }
.LBB2_1:
0xf: {  	[dreg:$0x9] =	wrdreg s3  }
0x10: {  	s0 =	rddreg [dreg:$0x6];
	s18 =	simm.s32 $0xB  }
0x11: {  	[tilespmem:s7], [sflag:$0xB] =	stream.linear.gather [hbm4b:s0+s7], $0x1900, $0x38;
	[tilespmem:$0x17200] =	vst v63  }
0x12: {  	_ =	swait.ge [sflag:s18], $0x1900  }
0x13: {  	[sflag:s18] =	ssyncset.done $0x0  }
0x14: {  	s8 =	simm.s32 $0x1900;
	s22 =	rddreg [dreg:$0x7];
	[sflag:s18] =	ssyncadd.s32 $0xFFFFE700  }
0x15: {  	[tilespmem:s8], [sflag:$0xB] =	stream.linear.gather [hbm4b:s22+s7], $0x1900, $0x38;
	[tilespmem:$0x17200] =	vst v63  }
0x16: {  	p0 =	por $0x0, $0x0;
	_ =	swait.ge [sflag:s18], $0x1900  }
0x17: {  	p1 =	por p0, p0;
	[sflag:s18] =	ssyncset.done $0x0  }
0x18: {  	s0 =	simm.s32 @p1 $0x6;
	[sflag:s18] =	ssyncadd.s32 $0xFFFFE700  }
0x19: {  	_ =	swait.ge @p1 [sflag:s0], $0x4000  }
0x1a: {  	s3 =	simm.s32 @p1 $0x3200;
	s9 =	simm.s32 @p1 $0x80;
	[sflag:s0] =	ssyncset.done @p1 $0x0  }
0x1b: {  	s8 =	simm.s32 @p1 $0x7;
	[sflag:s0] =	ssyncadd.s32 @p1 $0xFFFFC000;
	s0 =	simm.s32 @p1 $0x0  }
0x1c: {  	[tilespmem:s3], [sflag:$0x1] =	stream.indirect.gather @p1 [hbm4b:s1+s9], $0x80, s0, s9, $0xb8;
	[tilespmem:$0x17200] =	vst v63  }
0x1d: {  	_ =	swait.ge @p1 [sflag:s8], $0x4000  }
0x1e: {  	s0 =	simm.s32 @p1 $0x8;
	[sflag:s8] =	ssyncset.done @p1 $0x0  }
0x1f: {  	s3 =	simm.s32 @p1 $0x80;
	[sflag:s8] =	ssyncadd.s32 @p1 $0xFFFFC000;
	s8 =	simm.s32 @p1 $0x7200  }
0x20: {  	[tilespmem:s8], [sflag:$0x2] =	stream.indirect.gather @p1 [hbm4b:s1+s9], $0x80, s3, s9, $0xb8;
	[tilespmem:$0x17200] =	vst v63  }
0x21: {  	s12 =	simm.s32 $0x7200;
	_ =	swait.ge @p1 [sflag:s0], $0x4000  }
0x22: {  	s31 =	simm.s32 $0x400;
	s3 =	simm.s32 @p1 $0x9;
	[sflag:s0] =	ssyncset.done @p1 $0x0  }
0x23: {  	s8 =	simm.s32 @p1 $0xB200;
	[sflag:s0] =	ssyncadd.s32 @p1 $0xFFFFC000;
	s0 =	simm.s32 @p1 $0x100  }
0x24: {  	[tilespmem:s8], [sflag:$0x3] =	stream.indirect.gather @p1 [hbm4b:s1+s9], $0x80, s0, s9, $0xb8;
	[tilespmem:$0x17200] =	vst v63  }
0x25: {  	s10 =	simm.s32 @p1 $0xA;
	s11 =	simm.s32 @!p1 $0x0;
	_ =	swait.ge @p1 [sflag:s3], $0x4000  }
0x26: {  	s0 =	simm.s32 $0x180;
	s8 =	simm.s32 @p0 $0x0;
	[sflag:s3] =	ssyncset.done @p1 $0x0  }
0x27: {  	s8 =	simm.s32 @!p0 $0x0;
	[sflag:s3] =	ssyncadd.s32 @p1 $0xFFFFC000;
	s3 =	simm.s32 @p1 $0xF200  }
0x28: {  	[tilespmem:s3], [sflag:$0x4] =	stream.indirect.gather @p1 [hbm4b:s1+s9], $0x80, s0, s9, $0xb8;
	[tilespmem:$0x17200] =	vst v63  }
0x29: {  	s22 =	simm.s32 $0x80;
	s26 =	sadd.s32 s6, s8;
	_ =	swait.ge @p1 [sflag:s10], $0x4000  }
0x2a: {  	s28 =	sadd.s32 $0x200, s8;
	s0 =	simm.s32 @p0 $0x80;
	[sflag:s10] =	ssyncset.done @p1 $0x0  }
0x2b: {  	s9 =	simm.s32 @!p1 $0x3200;
	[sflag:s10] =	ssyncadd.s32 @p1 $0xFFFFC000;
	s10 =	simm.s32 @!p1 $0x80  }
0x2c: {  	[tilespmem:s9], [sflag:$0x1] =	stream.indirect.gather @!p1 [hbm4b:s1+s10], $0x80, s11, s10, $0xb8;
	[tilespmem:$0x17200] =	vst v63  }
0x2d: {  	s3 =	sshll.u32 s26, $0x4;
	s0 =	simm.s32 @!p0 $0x80;
	s9 =	simm.s32 @!p1 $0x7200  }
0x2e: {  	[tilespmem:s9], [sflag:$0x2] =	stream.indirect.gather @!p1 [hbm4b:s1+s10], $0x80, s10, s10, $0xb8;
	[tilespmem:$0x17200] =	vst v63  }
0x2f: {  	s0 =	sadd.s32 s6, s0;
	s11 =	simm.s32 @!p1 $0xB200;
	s9 =	simm.s32 @!p1 $0x100  }
0x30: {  	[tilespmem:s11], [sflag:$0x3] =	stream.indirect.gather @!p1 [hbm4b:s1+s10], $0x80, s9, s10, $0xb8;
	[tilespmem:$0x17200] =	vst v63  }
0x31: {  	s0 =	sshll.u32 s0, $0x4;
	s9 =	simm.s32 @!p1 $0x180;
	s11 =	simm.s32 @!p1 $0xF200  }
0x32: {  	[tilespmem:s11], [sflag:$0x4] =	stream.indirect.gather @!p1 [hbm4b:s1+s10], $0x80, s9, s10, $0xb8;
	[tilespmem:$0x17200] =	vst v63  }
0x33: {  	s3 =	sadd.s32 s4, s3;
	s0 =	sadd.s32 s4, s0;
	s10 =	simm.s32 $0x180  }
0x34: {  	s9 =	simm.s32 @p0 $0x100;
	s11 =	sadd.s32 s6, s28;
	s10 =	simm.s32 @!p0 $0x180  }
0x35: {  	[tilespmem:s14], [sflag:$0x5] =	stream.indirect.gather [hbm4b:s1+s13], $0x80, s28, s13, $0xb8;
	[tilespmem:$0x17200] =	vst v63  }
0x36: {  	s9 =	simm.s32 @!p0 $0x100;
	p0 =	por $0x1, $0x1;
	_ =	swait.ge [sflag:s15], $0x4000  }
0x37: {  	s11 =	sshll.u32 s11, $0x4;
	s29 =	sadd.s32 s6, s10;
	[sflag:s15] =	ssyncset.done $0x0  }
0x38: {  	s9 =	sadd.s32 s6, s9;
	s10 =	simm.s32 $0x680;
	[sflag:s15] =	ssyncadd.s32 $0xFFFFC000  }
0x39: {  	[hbm4b:s3+s7] =	stream.linear.scatter [tilespmem:s30], [sflag:$0x6], $0x4000, $0x38;
	[tilespmem:$0x17200] =	vst v63  }
0x3a: {  	s13 =	simm.s32 $0x7200;
	s11 =	sadd.s32 s4, s11;
	_ =	swait.ge [sflag:s17], $0x4000  }
0x3b: {  	s26 =	sshll.u32 s29, $0x4;
	s3 =	simm.s32 @p0 $0x280;
	[sflag:s17] =	ssyncset.done $0x0  }
0x3c: {  	s9 =	sshll.u32 s9, $0x4;
	s3 =	simm.s32 @!p0 $0x0;
	[sflag:s17] =	ssyncadd.s32 $0xFFFFC000  }
0x3d: {  	[hbm4b:s0+s7] =	stream.linear.scatter [tilespmem:s12], [sflag:$0x7], $0x4000, $0x38;
	[tilespmem:$0x17200] =	vst v63  }
0x3e: {  	s9 =	sadd.s32 s4, s9;
	s30 =	sadd.s32 s6, s3;
	_ =	swait.ge [sflag:s19], $0x4000  }
0x3f: {  	s26 =	sadd.s32 s4, s26;
	s8 =	sshll.u32 s30, $0x4;
	[sflag:s19] =	ssyncset.done $0x0  }
0x40: {  	s0 =	simm.s32 @p0 $0x300;
	s12 =	simm.s32 $0x400;
	[sflag:s19] =	ssyncadd.s32 $0xFFFFC000  }
0x41: {  	[hbm4b:s9+s7] =	stream.linear.scatter [tilespmem:s20], [sflag:$0x8], $0x4000, $0x38;
	[tilespmem:$0x17200] =	vst v63  }
0x42: {  	s0 =	simm.s32 @!p0 $0x80;
	s12 =	simm.s32 @!p0 $0x180;
	_ =	swait.ge [sflag:s21], $0x4000  }
0x43: {  	s0 =	sadd.s32 s6, s0;
	s12 =	sadd.s32 s6, s12;
	[sflag:s21] =	ssyncset.done $0x0  }
0x44: {  	s0 =	sshll.u32 s0, $0x4;
	s9 =	simm.s32 @p0 $0x380;
	[sflag:s21] =	ssyncadd.s32 $0xFFFFC000  }
0x45: {  	[hbm4b:s26+s7] =	stream.linear.scatter [tilespmem:s24], [sflag:$0x9], $0x4000, $0x38;
	[tilespmem:$0x17200] =	vst v63  }
0x46: {  	s12 =	sshll.u32 s12, $0x4;
	s9 =	simm.s32 @!p0 $0x100;
	_ =	swait.ge [sflag:s23], $0x4000  }
0x47: {  	p0 =	por p0, p0;
	s9 =	sadd.s32 s6, s9;
	[sflag:s23] =	ssyncset.done $0x0  }
0x48: {  	s9 =	sshll.u32 s9, $0x4;
	s26 =	simm.s32 $0x0;
	[sflag:s23] =	ssyncadd.s32 $0xFFFFC000  }
.LBB2_2:
0x49: {  	[hbm4b:s11+s26] =	stream.linear.scatter [tilespmem:s14], [sflag:$0xA], $0x4000, $0x38;
	[tilespmem:$0x17200] =	vst v63  }
0x4a: {  	s29 =	smov.u32 s10  }
0x4b: {  	s10 =	sadd.s32 $0x280, s10;
	s11 =	simm.s32 @p0 $0x6;
	p1 =	sne.s32 s29, $0x180  }
0x4c: {  	s26 =	sadd.s32 @p1 $0xFFFFFE80, s29;
	s28 =	sadd.s32 @p1 $0xFFFFFF00, s29;
	_ =	swait.ge @p0 [sflag:s11], $0x4000  }
0x4d: {  	s30 =	simm.s32 @p0 $0x3200;
	s16 =	simm.s32 @p0 $0x7;
	[sflag:s11] =	ssyncset.done @p0 $0x0  }
0x4e: {  	s18 =	simm.s32 @p0 $0x80;
	[sflag:s11] =	ssyncadd.s32 @p0 $0xFFFFC000;
	s11 =	sadd.s32 @p0 $0xFFFFFE80, s31  }
0x4f: {  	[tilespmem:s30], [sflag:$0x1] =	stream.indirect.gather @p0 [hbm4b:s1+s18], $0x80, s11, s18, $0xb8;
	[tilespmem:$0x17200] =	vst v63  }
0x50: {  	s28 =	simm.s32 @!p1 $0x80;
	s26 =	simm.s32 @!p1 $0x0;
	_ =	swait.ge @p0 [sflag:s16], $0x4000  }
0x51: {  	s11 =	sadd.s32 s6, s26;
	s30 =	simm.s32 @p0 $0x8;
	[sflag:s16] =	ssyncset.done @p0 $0x0  }
0x52: {  	s20 =	simm.s32 @p0 $0x7200;
	[sflag:s16] =	ssyncadd.s32 @p0 $0xFFFFC000;
	s16 =	sadd.s32 @p0 $0xFFFFFF00, s31  }
0x53: {  	[tilespmem:s20], [sflag:$0x2] =	stream.indirect.gather @p0 [hbm4b:s1+s18], $0x80, s16, s18, $0xb8;
	[tilespmem:$0x17200] =	vst v63  }
0x54: {  	s11 =	sshll.u32 s11, $0x4;
	s16 =	sadd.s32 s6, s28;
	_ =	swait.ge @p0 [sflag:s30], $0x4000  }
0x55: {  	s28 =	sshll.u32 s16, $0x4;
	s16 =	simm.s32 @p0 $0x9;
	[sflag:s30] =	ssyncset.done @p0 $0x0  }
0x56: {  	s20 =	sadd.s32 @p0 $0xFFFFFF80, s31;
	[sflag:s30] =	ssyncadd.s32 @p0 $0xFFFFC000;
	s30 =	simm.s32 @p0 $0xB200  }
0x57: {  	[tilespmem:s30], [sflag:$0x3] =	stream.indirect.gather @p0 [hbm4b:s1+s18], $0x80, s20, s18, $0xb8;
	[tilespmem:$0x17200] =	vst v63  }
0x58: {  	s20 =	sadd.s32 @p1 $0xFFFFFF80, s29;
	s29 =	simm.s32 @!p1 $0x180;
	_ =	swait.ge @p0 [sflag:s16], $0x4000  }
0x59: {  	s20 =	simm.s32 @!p1 $0x100;
	s29 =	sadd.s32 s6, s29;
	[sflag:s16] =	ssyncset.done @p0 $0x0  }
0x5a: {  	s30 =	simm.s32 @p0 $0xA;
	[sflag:s16] =	ssyncadd.s32 @p0 $0xFFFFC000;
	s16 =	simm.s32 @p0 $0xF200  }
0x5b: {  	[tilespmem:s16], [sflag:$0x4] =	stream.indirect.gather @p0 [hbm4b:s1+s18], $0x80, s31, s18, $0xb8;
	[tilespmem:$0x17200] =	vst v63  }
0x5c: {  	s29 =	sshll.u32 s29, $0x4;
	s16 =	sadd.s32 s6, s20;
	_ =	swait.ge @p0 [sflag:s30], $0x4000  }
0x5d: {  	s18 =	simm.s32 @!p0 $0x3200;
	s16 =	sshll.u32 s16, $0x4;
	[sflag:s30] =	ssyncset.done @p0 $0x0  }
0x5e: {  	s20 =	simm.s32 @!p0 $0x80;
	[sflag:s30] =	ssyncadd.s32 @p0 $0xFFFFC000;
	s30 =	simm.s32 @!p0 $0x0  }
0x5f: {  	[tilespmem:s18], [sflag:$0x1] =	stream.indirect.gather @!p0 [hbm4b:s1+s20], $0x80, s30, s20, $0xb8;
	[tilespmem:$0x17200] =	vst v63  }
0x60: {  	p2 =	sne.s32 s10, $0x1A80;
	s18 =	simm.s32 @!p0 $0x7200  }
0x61: {  	[tilespmem:s18], [sflag:$0x2] =	stream.indirect.gather @!p0 [hbm4b:s1+s20], $0x80, s20, s20, $0xb8;
	[tilespmem:$0x17200] =	vst v63  }
0x62: {  	s30 =	simm.s32 @!p0 $0xB200;
	s18 =	simm.s32 @!p0 $0x100  }
0x63: {  	[tilespmem:s30], [sflag:$0x3] =	stream.indirect.gather @!p0 [hbm4b:s1+s20], $0x80, s18, s20, $0xb8;
	[tilespmem:$0x17200] =	vst v63  }
0x64: {  	s18 =	simm.s32 @!p0 $0x180;
	s30 =	simm.s32 @!p0 $0xF200  }
0x65: {  	[tilespmem:s30], [sflag:$0x4] =	stream.indirect.gather @!p0 [hbm4b:s1+s20], $0x80, s18, s20, $0xb8;
	[tilespmem:$0x17200] =	vst v63  }
0x66: {  	s20 =	simm.s32 $0xB200;
	s30 =	simm.s32 $0x3200  }
0x67: {  	s18 =	sadd.s32 $0x200, s3;
	s3 =	smov.u32 s26;
	p0 =	por p1, p1  }
0x68: {  	[tilespmem:s14], [sflag:$0x5] =	stream.indirect.gather [hbm4b:s1+s22], $0x80, s18, s22, $0xb8;
	[tilespmem:$0x17200] =	vst v63  }
0x69: {  	s18 =	sadd.s32 s6, s18;
	_ =	swait.ge [sflag:s15], $0x4000  }
0x6a: {  	s18 =	sshll.u32 s18, $0x4;
	[sflag:s15] =	ssyncset.done $0x0  }
0x6b: {  	s8 =	sadd.s32 s4, s8;
	s26 =	simm.s32 $0x0;
	[sflag:s15] =	ssyncadd.s32 $0xFFFFC000  }
0x6c: {  	[hbm4b:s8+s26] =	stream.linear.scatter [tilespmem:s30], [sflag:$0x6], $0x4000, $0x38;
	[tilespmem:$0x17200] =	vst v63  }
0x6d: {  	s8 =	smov.u32 s11;
	_ =	swait.ge [sflag:s17], $0x4000  }
0x6e: {  	[sflag:s17] =	ssyncset.done $0x0  }
0x6f: {  	s11 =	sadd.s32 s4, s0;
	s0 =	smov.u32 s28;
	[sflag:s17] =	ssyncadd.s32 $0xFFFFC000  }
0x70: {  	[hbm4b:s11+s26] =	stream.linear.scatter [tilespmem:s13], [sflag:$0x7], $0x4000, $0x38;
	[tilespmem:$0x17200] =	vst v63  }
0x71: {  	_ =	swait.ge [sflag:s19], $0x4000  }
0x72: {  	[sflag:s19] =	ssyncset.done $0x0  }
0x73: {  	s11 =	sadd.s32 s4, s9;
	s9 =	smov.u32 s16;
	[sflag:s19] =	ssyncadd.s32 $0xFFFFC000  }
0x74: {  	[hbm4b:s11+s26] =	stream.linear.scatter [tilespmem:s20], [sflag:$0x8], $0x4000, $0x38;
	[tilespmem:$0x17200] =	vst v63  }
0x75: {  	_ =	swait.ge [sflag:s21], $0x4000  }
0x76: {  	[sflag:s21] =	ssyncset.done $0x0  }
.Ltmp0:
0x77: {  	s11 =	sadd.s32 s4, s12;
	[sflag:s21] =	ssyncadd.s32 $0xFFFFC000;
	(pc) =	sbr.rel @p2 .LBB2_2-.Ltmp0, $4  }
0x78: {  	[hbm4b:s11+s26] =	stream.linear.scatter [tilespmem:s24], [sflag:$0x9], $0x4000, $0x38;
	[tilespmem:$0x17200] =	vst v63  }
0x79: {  	s12 =	smov.u32 s29;
	_ =	swait.ge [sflag:s23], $0x4000  }
0x7a: {  	[sflag:s23] =	ssyncset.done $0x0  }
0x7b: {  	s31 =	sadd.s32 $0x280, s31;
	s11 =	sadd.s32 s4, s18;
	[sflag:s23] =	ssyncadd.s32 $0xFFFFC000  }
0x7c: {  	[hbm4b:s11+s26] =	stream.linear.scatter [tilespmem:s14], [sflag:$0xA], $0x4000, $0x38;
	[tilespmem:$0x17200] =	vst v63  }
0x7d: {  	s10 =	simm.s32 @p0 $0x6  }
0x7e: {  	_ =	swait.ge @p0 [sflag:s10], $0x4000  }
0x7f: {  	s11 =	simm.s32 @p0 $0x3200;
	[sflag:s10] =	ssyncset.done @p0 $0x0  }
0x80: {  	s16 =	simm.s32 @p0 $0x80;
	[sflag:s10] =	ssyncadd.s32 @p0 $0xFFFFC000;
	s10 =	sadd.s32 @p0 $0xFFFFFE80, s31  }
0x81: {  	[tilespmem:s11], [sflag:$0x1] =	stream.indirect.gather @p0 [hbm4b:s1+s16], $0x80, s10, s16, $0xb8;
	[tilespmem:$0x17200] =	vst v63  }
0x82: {  	s10 =	simm.s32 @p0 $0x7  }
0x83: {  	_ =	swait.ge @p0 [sflag:s10], $0x4000  }
0x84: {  	[sflag:s10] =	ssyncset.done @p0 $0x0  }
0x85: {  	s11 =	simm.s32 @p0 $0x7200;
	[sflag:s10] =	ssyncadd.s32 @p0 $0xFFFFC000;
	s10 =	sadd.s32 @p0 $0xFFFFFF00, s31  }
0x86: {  	[tilespmem:s11], [sflag:$0x2] =	stream.indirect.gather @p0 [hbm4b:s1+s16], $0x80, s10, s16, $0xb8;
	[tilespmem:$0x17200] =	vst v63  }
0x87: {  	s10 =	simm.s32 @p0 $0x8  }
0x88: {  	_ =	swait.ge @p0 [sflag:s10], $0x4000  }
0x89: {  	[sflag:s10] =	ssyncset.done @p0 $0x0  }
0x8a: {  	s11 =	simm.s32 @p0 $0xB200;
	[sflag:s10] =	ssyncadd.s32 @p0 $0xFFFFC000;
	s10 =	sadd.s32 @p0 $0xFFFFFF80, s31  }
0x8b: {  	[tilespmem:s11], [sflag:$0x3] =	stream.indirect.gather @p0 [hbm4b:s1+s16], $0x80, s10, s16, $0xb8;
	[tilespmem:$0x17200] =	vst v63  }
0x8c: {  	s10 =	simm.s32 @p0 $0x9  }
0x8d: {  	_ =	swait.ge @p0 [sflag:s10], $0x4000  }
0x8e: {  	[sflag:s10] =	ssyncset.done @p0 $0x0  }
0x8f: {  	[sflag:s10] =	ssyncadd.s32 @p0 $0xFFFFC000;
	s10 =	simm.s32 @p0 $0xF200  }
0x90: {  	[tilespmem:s10], [sflag:$0x4] =	stream.indirect.gather @p0 [hbm4b:s1+s16], $0x80, s31, s16, $0xb8;
	[tilespmem:$0x17200] =	vst v63  }
0x91: {  	s10 =	simm.s32 @p0 $0xA  }
0x92: {  	_ =	swait.ge @p0 [sflag:s10], $0x4000  }
0x93: {  	s11 =	simm.s32 @!p0 $0x3200;
	[sflag:s10] =	ssyncset.done @p0 $0x0  }
0x94: {  	s16 =	simm.s32 @!p0 $0x0;
	[sflag:s10] =	ssyncadd.s32 @p0 $0xFFFFC000;
	s10 =	simm.s32 @!p0 $0x80  }
0x95: {  	[tilespmem:s11], [sflag:$0x1] =	stream.indirect.gather @!p0 [hbm4b:s1+s10], $0x80, s16, s10, $0xb8;
	[tilespmem:$0x17200] =	vst v63  }
0x96: {  	s11 =	simm.s32 @!p0 $0x7200  }
0x97: {  	[tilespmem:s11], [sflag:$0x2] =	stream.indirect.gather @!p0 [hbm4b:s1+s10], $0x80, s10, s10, $0xb8;
	[tilespmem:$0x17200] =	vst v63  }
0x98: {  	s16 =	simm.s32 @!p0 $0xB200;
	s11 =	simm.s32 @!p0 $0x100  }
0x99: {  	[tilespmem:s16], [sflag:$0x3] =	stream.indirect.gather @!p0 [hbm4b:s1+s10], $0x80, s11, s10, $0xb8;
	[tilespmem:$0x17200] =	vst v63  }
0x9a: {  	s11 =	simm.s32 @!p0 $0x180;
	s16 =	simm.s32 @!p0 $0xF200  }
0x9b: {  	[tilespmem:s16], [sflag:$0x4] =	stream.indirect.gather @!p0 [hbm4b:s1+s10], $0x80, s11, s10, $0xb8;
	[tilespmem:$0x17200] =	vst v63  }
0x9c: {  	s3 =	sadd.s32 $0x200, s3;
	s29 =	simm.s32 $0x80  }
0x9d: {  	[tilespmem:s14], [sflag:$0x5] =	stream.indirect.gather [hbm4b:s1+s29], $0x80, s3, s29, $0xb8;
	[tilespmem:$0x17200] =	vst v63  }
0x9e: {  	_ =	swait.ge [sflag:s15], $0x4000  }
0x9f: {  	[sflag:s15] =	ssyncset.done $0x0  }
0xa0: {  	s8 =	sadd.s32 s4, s8;
	[sflag:s15] =	ssyncadd.s32 $0xFFFFC000  }
0xa1: {  	[hbm4b:s8+s26] =	stream.linear.scatter [tilespmem:s30], [sflag:$0x6], $0x4000, $0x38;
	[tilespmem:$0x17200] =	vst v63  }
0xa2: {  	_ =	swait.ge [sflag:s17], $0x4000  }
0xa3: {  	[sflag:s17] =	ssyncset.done $0x0  }
0xa4: {  	s0 =	sadd.s32 s4, s0;
	s11 =	simm.s32 $0x7200;
	[sflag:s17] =	ssyncadd.s32 $0xFFFFC000  }
0xa5: {  	[hbm4b:s0+s26] =	stream.linear.scatter [tilespmem:s11], [sflag:$0x7], $0x4000, $0x38;
	[tilespmem:$0x17200] =	vst v63  }
0xa6: {  	_ =	swait.ge [sflag:s19], $0x4000  }
0xa7: {  	[sflag:s19] =	ssyncset.done $0x0  }
0xa8: {  	s9 =	sadd.s32 s4, s9;
	[sflag:s19] =	ssyncadd.s32 $0xFFFFC000  }
0xa9: {  	[hbm4b:s9+s26] =	stream.linear.scatter [tilespmem:s20], [sflag:$0x8], $0x4000, $0x38;
	[tilespmem:$0x17200] =	vst v63  }
0xaa: {  	_ =	swait.ge [sflag:s21], $0x4000  }
0xab: {  	[sflag:s21] =	ssyncset.done $0x0  }
0xac: {  	s13 =	sadd.s32 s4, s12;
	s16 =	simm.s32 $0xF200;
	[sflag:s21] =	ssyncadd.s32 $0xFFFFC000  }
0xad: {  	[hbm4b:s13+s26] =	stream.linear.scatter [tilespmem:s16], [sflag:$0x9], $0x4000, $0x38;
	[tilespmem:$0x17200] =	vst v63  }
0xae: {  	s18 =	sadd.s32 s6, s3;
	_ =	swait.ge [sflag:s23], $0x4000  }
0xaf: {  	s0 =	sshll.u32 s18, $0x4;
	[sflag:s23] =	ssyncset.done $0x0  }
0xb0: {  	s28 =	simm.s32 $0x6;
	s0 =	sadd.s32 s4, s0;
	[sflag:s23] =	ssyncadd.s32 $0xFFFFC000  }
0xb1: {  	[hbm4b:s0+s26] =	stream.linear.scatter [tilespmem:s14], [sflag:$0xA], $0x4000, $0x38;
	[tilespmem:$0x17200] =	vst v63  }
0xb2: {  	p0 =	por $0x1, $0x1;
	_ =	swait.ge [sflag:s28], $0x4000  }
0xb3: {  	s3 =	simm.s32 @p0 $0x1900;
	[sflag:s28] =	ssyncset.done $0x0  }
0xb4: {  	s8 =	simm.s32 @p0 $0x3200;
	s0 =	simm.s32 @p0 $0x80;
	[sflag:s28] =	ssyncadd.s32 $0xFFFFC000  }
0xb5: {  	[tilespmem:s8], [sflag:$0x1] =	stream.indirect.gather @p0 [hbm4b:s2+s0], $0x80, s3, s0, $0xb8;
	[tilespmem:$0x17200] =	vst v63  }
0xb6: {  	s3 =	simm.s32 @p0 $0x7  }
0xb7: {  	_ =	swait.ge @p0 [sflag:s3], $0x4000  }
0xb8: {  	[sflag:s3] =	ssyncset.done @p0 $0x0  }
0xb9: {  	s8 =	simm.s32 @p0 $0x1980;
	[sflag:s3] =	ssyncadd.s32 @p0 $0xFFFFC000;
	s3 =	simm.s32 @p0 $0x7200  }
0xba: {  	[tilespmem:s3], [sflag:$0x2] =	stream.indirect.gather @p0 [hbm4b:s2+s0], $0x80, s8, s0, $0xb8;
	[tilespmem:$0x17200] =	vst v63  }
0xbb: {  	s3 =	simm.s32 @p0 $0x8  }
0xbc: {  	_ =	swait.ge @p0 [sflag:s3], $0x4000  }
0xbd: {  	[sflag:s3] =	ssyncset.done @p0 $0x0  }
0xbe: {  	s8 =	simm.s32 @p0 $0xB200;
	[sflag:s3] =	ssyncadd.s32 @p0 $0xFFFFC000;
	s3 =	simm.s32 @p0 $0x1A00  }
0xbf: {  	[tilespmem:s8], [sflag:$0x3] =	stream.indirect.gather @p0 [hbm4b:s2+s0], $0x80, s3, s0, $0xb8;
	[tilespmem:$0x17200] =	vst v63  }
0xc0: {  	s0 =	simm.s32 @p0 $0x9  }
0xc1: {  	_ =	swait.ge @p0 [sflag:s0], $0x4000  }
0xc2: {  	s3 =	simm.s32 @!p0 $0x1900;
	[sflag:s0] =	ssyncset.done @p0 $0x0  }
0xc3: {  	s8 =	simm.s32 @!p0 $0x80;
	[sflag:s0] =	ssyncadd.s32 @p0 $0xFFFFC000;
	s0 =	simm.s32 @!p0 $0x3200  }
0xc4: {  	[tilespmem:s0], [sflag:$0x1] =	stream.indirect.gather @!p0 [hbm4b:s2+s8], $0x80, s3, s8, $0xb8;
	[tilespmem:$0x17200] =	vst v63  }
0xc5: {  	s0 =	simm.s32 @!p0 $0x7  }
0xc6: {  	_ =	swait.ge @!p0 [sflag:s0], $0x4000  }
0xc7: {  	[sflag:s0] =	ssyncset.done @!p0 $0x0  }
0xc8: {  	s3 =	simm.s32 @!p0 $0x1980;
	[sflag:s0] =	ssyncadd.s32 @!p0 $0xFFFFC000;
	s0 =	simm.s32 @!p0 $0x7200  }
0xc9: {  	[tilespmem:s0], [sflag:$0x2] =	stream.indirect.gather @!p0 [hbm4b:s2+s8], $0x80, s3, s8, $0xb8;
	[tilespmem:$0x17200] =	vst v63  }
0xca: {  	s0 =	simm.s32 @!p0 $0x8  }
0xcb: {  	_ =	swait.ge @!p0 [sflag:s0], $0x4000  }
0xcc: {  	[sflag:s0] =	ssyncset.done @!p0 $0x0  }
0xcd: {  	s3 =	simm.s32 @!p0 $0x1A00;
	[sflag:s0] =	ssyncadd.s32 @!p0 $0xFFFFC000;
	s0 =	simm.s32 @!p0 $0xB200  }
0xce: {  	[tilespmem:s0], [sflag:$0x3] =	stream.indirect.gather @!p0 [hbm4b:s2+s8], $0x80, s3, s8, $0xb8;
	[tilespmem:$0x17200] =	vst v63  }
0xcf: {  	s0 =	simm.s32 @!p0 $0x9  }
0xd0: {  	_ =	swait.ge @!p0 [sflag:s0], $0x4000  }
0xd1: {  	s3 =	simm.s32 $0x1A80;
	[sflag:s0] =	ssyncset.done @!p0 $0x0  }
0xd2: {  	s3 =	simm.s32 @p0 $0x1A80;
	[sflag:s0] =	ssyncadd.s32 @!p0 $0xFFFFC000  }
0xd3: {  	[tilespmem:s16], [sflag:$0x4] =	stream.indirect.gather [hbm4b:s2+s29], $0x80, s3, s29, $0xb8;
	[tilespmem:$0x17200] =	vst v63  }
0xd4: {  	_ =	swait.ge [sflag:s25], $0x4000  }
0xd5: {  	s26 =	simm.s32 @p0 $0x0;
	[sflag:s25] =	ssyncset.done $0x0  }
0xd6: {  	s22 =	sadd.s32 $0x1B00, s26;
	[sflag:s25] =	ssyncadd.s32 $0xFFFFC000  }
0xd7: {  	[tilespmem:s14], [sflag:$0x5] =	stream.indirect.gather [hbm4b:s2+s29], $0x80, s22, s29, $0xb8;
	[tilespmem:$0x17200] =	vst v63  }
0xd8: {  	s24 =	simm.s32 $0xF200;
	s29 =	sadd.s32 s6, s26;
	_ =	swait.ge [sflag:s15], $0x4000  }
0xd9: {  	s3 =	simm.s32 @!p0 $0x80;
	s0 =	sshll.u32 s29, $0x4;
	[sflag:s15] =	ssyncset.done $0x0  }
0xda: {  	s3 =	simm.s32 @p0 $0x80;
	s10 =	sadd.s32 s5, s0;
	[sflag:s15] =	ssyncadd.s32 $0xFFFFC000  }
0xdb: {  	[hbm4b:s10+s7] =	stream.linear.scatter [tilespmem:s30], [sflag:$0x6], $0x4000, $0x38;
	[tilespmem:$0x17200] =	vst v63  }
0xdc: {  	s31 =	simm.s32 $0x7200;
	s3 =	sadd.s32 s6, s3;
	_ =	swait.ge [sflag:s17], $0x4000  }
0xdd: {  	s8 =	simm.s32 @!p0 $0x100;
	s3 =	sshll.u32 s3, $0x4;
	[sflag:s17] =	ssyncset.done $0x0  }
0xde: {  	s8 =	simm.s32 @p0 $0x100;
	s3 =	sadd.s32 s5, s3;
	[sflag:s17] =	ssyncadd.s32 $0xFFFFC000  }
0xdf: {  	[hbm4b:s3+s7] =	stream.linear.scatter [tilespmem:s11], [sflag:$0x7], $0x4000, $0x38;
	[tilespmem:$0x17200] =	vst v63  }
0xe0: {  	s13 =	simm.s32 $0x80;
	s8 =	sadd.s32 s6, s8;
	s3 =	simm.s32 @!p0 $0x180  }
0xe1: {  	_ =	swait.ge [sflag:s19], $0x4000;
	s3 =	simm.s32 @p0 $0x180;
	p0 =	por $0x1, $0x1  }
.Ltmp1:
0xe2: {  	s8 =	sshll.u32 s8, $0x4;
	[sflag:s19] =	ssyncset.done $0x0;
	(pc) =	sbr.rel @!p0 .LBB2_5-.Ltmp1, $4  }
0xe3: {  	s8 =	sadd.s32 s5, s8;
	s3 =	sadd.s32 s6, s3;
	[sflag:s19] =	ssyncadd.s32 $0xFFFFC000  }
0xe4: {  	[hbm4b:s8+s7] =	stream.linear.scatter [tilespmem:s20], [sflag:$0x8], $0x4000, $0x38;
	[tilespmem:$0x17200] =	vst v63  }
0xe5: {  	s0 =	simm.s32 $0x280;
	s3 =	sshll.u32 s3, $0x4;
	_ =	swait.ge [sflag:s21], $0x4000  }
0xe6: {  	s12 =	sadd.s32 s5, s3;
	s3 =	simm.s32 $0x1D00;
	[sflag:s21] =	ssyncset.done $0x0  }
.LBB2_4:
0xe7: {  	p0 =	seq.s32 s0, $0x0;
	[sflag:s21] =	ssyncadd.s32 $0xFFFFC000  }
0xe8: {  	s9 =	smov.u32 s0;
	s0 =	sadd.s32 $0x280, s0;
	s22 =	simm.s32 $0xF200  }
0xe9: {  	[hbm4b:s12+s7] =	stream.linear.scatter [tilespmem:s22], [sflag:$0x9], $0x4000, $0x38;
	[tilespmem:$0x17200] =	vst v63  }
0xea: {  	s8 =	smov.u32 s9  }
0xeb: {  	s11 =	sadd.s32 @!p0 $0x100, s9;
	s8 =	simm.s32 @p0 $0x0;
	_ =	swait.ge [sflag:s23], $0x4000  }
0xec: {  	s12 =	simm.s32 @p0 $0x80;
	s16 =	simm.s32 @p0 $0x1900;
	[sflag:s23] =	ssyncset.done $0x0  }
0xed: {  	s10 =	sadd.s32 $0x2000, s10;
	s11 =	simm.s32 @p0 $0x100;
	[sflag:s23] =	ssyncadd.s32 $0xFFFFC000  }
0xee: {  	[hbm4b:s10+s7] =	stream.linear.scatter [tilespmem:s14], [sflag:$0xA], $0x4000, $0x38;
	[tilespmem:$0x17200] =	vst v63  }
0xef: {  	s11 =	sadd.s32 s6, s11;
	s10 =	sadd.s32 @!p0 $0x180, s9;
	_ =	swait.ge [sflag:s28], $0x4000  }
0xf0: {  	s18 =	simm.s32 @p0 $0x3200;
	s10 =	simm.s32 @p0 $0x180;
	[sflag:s28] =	ssyncset.done $0x0  }
0xf1: {  	s20 =	simm.s32 @p0 $0x7;
	s9 =	sadd.s32 @!p0 $0x80, s9;
	[sflag:s28] =	ssyncadd.s32 $0xFFFFC000  }
0xf2: {  	[tilespmem:s18], [sflag:$0x1] =	stream.indirect.gather @p0 [hbm4b:s2+s12], $0x80, s16, s12, $0xb8;
	[tilespmem:$0x17200] =	vst v63  }
0xf3: {  	s9 =	simm.s32 @p0 $0x80;
	s16 =	simm.s32 @p0 $0x1980;
	_ =	swait.ge @p0 [sflag:s20], $0x4000  }
0xf4: {  	s26 =	sadd.s32 s6, s9;
	s18 =	simm.s32 @p0 $0x8;
	[sflag:s20] =	ssyncset.done @p0 $0x0  }
0xf5: {  	s9 =	sshll.u32 s11, $0x4;
	[sflag:s20] =	ssyncadd.s32 @p0 $0xFFFFC000;
	s20 =	simm.s32 @p0 $0x7200  }
0xf6: {  	[tilespmem:s20], [sflag:$0x2] =	stream.indirect.gather @p0 [hbm4b:s2+s12], $0x80, s16, s12, $0xb8;
	[tilespmem:$0x17200] =	vst v63  }
0xf7: {  	s11 =	simm.s32 @p0 $0x9;
	s10 =	sadd.s32 s6, s10;
	_ =	swait.ge @p0 [sflag:s18], $0x4000  }
0xf8: {  	s16 =	sadd.s32 @!p0 $0xFFFFFE80, s3;
	s20 =	simm.s32 @!p0 $0x80;
	[sflag:s18] =	ssyncset.done @p0 $0x0  }
0xf9: {  	s28 =	simm.s32 @p0 $0xB200;
	[sflag:s18] =	ssyncadd.s32 @p0 $0xFFFFC000;
	s18 =	simm.s32 @p0 $0x1A00  }
0xfa: {  	[tilespmem:s28], [sflag:$0x3] =	stream.indirect.gather @p0 [hbm4b:s2+s12], $0x80, s18, s12, $0xb8;
	[tilespmem:$0x17200] =	vst v63  }
0xfb: {  	s10 =	sshll.u32 s10, $0x4;
	s18 =	simm.s32 @!p0 $0x7;
	_ =	swait.ge @p0 [sflag:s11], $0x4000  }
0xfc: {  	s29 =	simm.s32 @!p0 $0x7200;
	s28 =	sadd.s32 @!p0 $0xFFFFFF00, s3;
	[sflag:s11] =	ssyncset.done @p0 $0x0  }
0xfd: {  	s12 =	sadd.s32 s5, s10;
	[sflag:s11] =	ssyncadd.s32 @p0 $0xFFFFC000;
	s11 =	simm.s32 @!p0 $0x3200  }
0xfe: {  	[tilespmem:s11], [sflag:$0x1] =	stream.indirect.gather @!p0 [hbm4b:s2+s20], $0x80, s16, s20, $0xb8;
	[tilespmem:$0x17200] =	vst v63  }
0xff: {  	p1 =	sne.s32 s0, $0x1900;
	s10 =	simm.s32 @!p0 $0x8;
	_ =	swait.ge @!p0 [sflag:s18], $0x4000  }
0x100: {  	s11 =	sadd.s32 @!p0 $0xFFFFFF80, s3;
	s16 =	simm.s32 @!p0 $0xB200;
	[sflag:s18] =	ssyncset.done @!p0 $0x0  }
0x101: {  	[sflag:s18] =	ssyncadd.s32 @!p0 $0xFFFFC000  }
0x102: {  	[tilespmem:s29], [sflag:$0x2] =	stream.indirect.gather @!p0 [hbm4b:s2+s20], $0x80, s28, s20, $0xb8;
	[tilespmem:$0x17200] =	vst v63  }
0x103: {  	s28 =	simm.s32 $0x6  }
0x104: {  	_ =	swait.ge @!p0 [sflag:s10], $0x4000  }
0x105: {  	s18 =	simm.s32 @!p0 $0x9;
	[sflag:s10] =	ssyncset.done @!p0 $0x0  }
0x106: {  	[sflag:s10] =	ssyncadd.s32 @!p0 $0xFFFFC000  }
0x107: {  	[tilespmem:s16], [sflag:$0x3] =	stream.indirect.gather @!p0 [hbm4b:s2+s20], $0x80, s11, s20, $0xb8;
	[tilespmem:$0x17200] =	vst v63  }
0x108: {  	s20 =	simm.s32 $0xB200  }
0x109: {  	s24 =	simm.s32 $0xF200;
	_ =	swait.ge @!p0 [sflag:s18], $0x4000  }
0x10a: {  	s10 =	smov.u32 s3;
	s11 =	sadd.s32 $0x1B00, s8;
	[sflag:s18] =	ssyncset.done @!p0 $0x0  }
0x10b: {  	s10 =	simm.s32 @p0 $0x1A80;
	s8 =	sadd.s32 s6, s8;
	[sflag:s18] =	ssyncadd.s32 @!p0 $0xFFFFC000  }
0x10c: {  	[tilespmem:s22], [sflag:$0x4] =	stream.indirect.gather [hbm4b:s2+s13], $0x80, s10, s13, $0xb8;
	[tilespmem:$0x17200] =	vst v63  }
0x10d: {  	s8 =	sshll.u32 s8, $0x4;
	_ =	swait.ge [sflag:s25], $0x4000  }
0x10e: {  	s10 =	sadd.s32 s5, s8;
	[sflag:s25] =	ssyncset.done $0x0  }
0x10f: {  	[sflag:s25] =	ssyncadd.s32 $0xFFFFC000  }
0x110: {  	[tilespmem:s14], [sflag:$0x5] =	stream.indirect.gather [hbm4b:s2+s13], $0x80, s11, s13, $0xb8;
	[tilespmem:$0x17200] =	vst v63  }
0x111: {  	s8 =	sshll.u32 s26, $0x4;
	_ =	swait.ge [sflag:s15], $0x4000  }
0x112: {  	s8 =	sadd.s32 s5, s8;
	[sflag:s15] =	ssyncset.done $0x0  }
0x113: {  	[sflag:s15] =	ssyncadd.s32 $0xFFFFC000  }
0x114: {  	[hbm4b:s10+s7] =	stream.linear.scatter [tilespmem:s30], [sflag:$0x6], $0x4000, $0x38;
	[tilespmem:$0x17200] =	vst v63  }
0x115: {  	_ =	swait.ge [sflag:s17], $0x4000  }
0x116: {  	[sflag:s17] =	ssyncset.done $0x0  }
0x117: {  	[sflag:s17] =	ssyncadd.s32 $0xFFFFC000  }
0x118: {  	[hbm4b:s8+s7] =	stream.linear.scatter [tilespmem:s31], [sflag:$0x7], $0x4000, $0x38;
	[tilespmem:$0x17200] =	vst v63  }
0x119: {  	_ =	swait.ge [sflag:s19], $0x4000  }
.Ltmp2:
0x11a: {  	[sflag:s19] =	ssyncset.done $0x0;
	(pc) =	sbr.rel @p1 .LBB2_4-.Ltmp2, $4  }
0x11b: {  	s8 =	sadd.s32 s5, s9;
	[sflag:s19] =	ssyncadd.s32 $0xFFFFC000  }
0x11c: {  	[hbm4b:s8+s7] =	stream.linear.scatter [tilespmem:s20], [sflag:$0x8], $0x4000, $0x38;
	[tilespmem:$0x17200] =	vst v63  }
0x11d: {  	_ =	swait.ge [sflag:s21], $0x4000  }
0x11e: {  	s3 =	sadd.s32 $0x280, s3;
	[sflag:s21] =	ssyncset.done $0x0  }
.LBB2_5:
0x11f: {  	[sflag:s21] =	ssyncadd.s32 $0xFFFFC000  }
0x120: {  	[hbm4b:s12+s7] =	stream.linear.scatter [tilespmem:s24], [sflag:$0x9], $0x4000, $0x38;
	[tilespmem:$0x17200] =	vst v63  }
0x121: {  	_ =	swait.ge [sflag:s23], $0x4000  }
0x122: {  	[sflag:s23] =	ssyncset.done $0x0  }
0x123: {  	s0 =	sadd.s32 $0x2000, s10;
	[sflag:s23] =	ssyncadd.s32 $0xFFFFC000  }
0x124: {  	[hbm4b:s0+s7] =	stream.linear.scatter [tilespmem:s14], [sflag:$0xA], $0x4000, $0x38;
	[tilespmem:$0x17200] =	vst v63  }
0x125: {  	_ =	swait.ge [sflag:s28], $0x4000  }
0x126: {  	[sflag:s28] =	ssyncset.done $0x0  }
0x127: {  	s26 =	simm.s32 $0x7;
	[sflag:s28] =	ssyncadd.s32 $0xFFFFC000  }
0x128: {  	_ =	swait.ge [sflag:s26], $0x4000  }
0x129: {  	[sflag:s26] =	ssyncset.done $0x0  }
0x12a: {  	s28 =	simm.s32 $0x8;
	[sflag:s26] =	ssyncadd.s32 $0xFFFFC000  }
0x12b: {  	_ =	swait.ge [sflag:s28], $0x4000  }
0x12c: {  	[sflag:s28] =	ssyncset.done $0x0  }
0x12d: {  	s29 =	simm.s32 $0x9;
	[sflag:s28] =	ssyncadd.s32 $0xFFFFC000  }
0x12e: {  	_ =	swait.ge [sflag:s29], $0x4000  }
0x12f: {  	[sflag:s29] =	ssyncset.done $0x0  }
0x130: {  	[sflag:s29] =	ssyncadd.s32 $0xFFFFC000  }
0x131: {  	_ =	swait.ge [sflag:s25], $0x4000  }
0x132: {  	s3 =	rddreg [dreg:$0x9]  }
0x133: {  	s31 =	rddreg [dreg:$0x8];
	s3 =	sadd.s32 $0x1, s3  }
0x134: {  	p0 =	sne.s32 s3, s31  }
.Ltmp3:
0x135: {  	_ = 	snop;
	(pc) =	sbr.rel @p0 .LBB2_1-.Ltmp3, $3  }
0x136: {  	_ =	sdelay $0x1  }
0x137: {  	[sflag:s25] =	ssyncset.done $0x0  }
0x138: {  	[sflag:s25] =	ssyncadd.s32 $0xFFFFC000  }
0x139: {  	_ =	sfence.sel $0x180000  }
0x13a: {  	[bflag:$0x0] =	sbarrier.arrive $0xFFFF  }
0x13b: {  	_ =	strace $0x90000047  }
0x13c: {  	s0 =	stileid.u32;
	[bflag:$0x2] =	sbarrier.arrive $0xFFFF  }
0x13d: {  	p0 =	sne.s32 s0, $0x0;
	s0 =	rddreg [dreg:$0x5]  }
0x13e: {  	s0 =	sadd.s32 @!p0 $0x100000, s0  }
0x13f: {  	[sflag:s0] =	ssyncadd.tile.s32 @!p0 $0x1;
	_ =	shalt  }
.Lfunc_end2:
_tile_overlayer_lowered:
.L_overlay_start_2:
0x140: {  	(tag) =	ssettag $0x2  }
0x141: {  	s0 =	rddreg [dreg:$0x0];
	s2 =	stileid.u32  }
0x142: {  	s1 =	rddreg [dreg:$0x1];
	p0 =	sne.s32 s2, $0x0  }
0x143: {  	s3 =	rddreg [dreg:$0x2];
	[bflag:$0x3] =	sbarrier.arrive $0xFFFF;
	s2 =	simm.s32 @!p0 $0x1C0B  }
0x144: {  	[timem:s3], [sflag:s2] =	dma.local @!p0 [hbm:s0], s1  }
0x145: {  	s0 =	simm.s32 @!p0 $0xB  }
0x146: {  	_ =	swait.ge @!p0 [sflag:s0], s1  }
0x147: {  	s1 =	ssub.s32 @!p0 $0x0, s1;
	[sflag:s0] =	ssyncset.done @!p0 $0x0  }
0x148: {  	[sflag:s0] =	ssyncadd.s32 @!p0 s1  }
0x149: {  	[bflag:$0x3] =	sbarrier.arrive $0xFFFF  }
0x14a: {  	_ =	shalt  }

</sc_bundles>
